<compile_context>
chip_gen: v7x
topology: tpu7x:2x2x1
jax: 0.10.2.dev20260603
libtpu: 0.0.44.dev20260713+nightly
codegen_flags: <defaults>
</compile_context>

<pallas_src>
import functools

import jax
import jax.numpy as jnp
from jax import lax
from jax.experimental import pallas as pl
from jax.experimental.pallas import tpu as pltpu
from jax.experimental.pallas import tpu_sc as plsc

N_EXPERTS = 16
LBL_COEF = 0.01

BLOCK_T = 1024
SC_LANES = 16
SC_WORKERS = 32


def _logits_kernel(x_ref, w_ref, logits_ref, loss_ref, acc_ref,
                   *, n_steps, n_tokens):
    step = pl.program_id(0)

    @pl.when(step == 0)
    def _init():
        acc_ref[...] = jnp.zeros_like(acc_ref)

    logits = jax.lax.dot_general(
        w_ref[...], x_ref[...],
        dimension_numbers=(((1,), (1,)), ((), ())),
        preferred_element_type=jnp.float32,
    )
    logits_ref[...] = logits

    m1 = jnp.max(logits, axis=0, keepdims=True)
    ex = jnp.exp(logits - m1)
    rp = ex / jnp.sum(ex, axis=0, keepdims=True)
    acc_ref[...] += jnp.sum(rp, axis=1, keepdims=True)

    @pl.when(step == n_steps - 1)
    def _finish():
        ep = acc_ref[...] / jnp.float32(n_tokens)
        loss_ref[0, 0] = LBL_COEF * jnp.sum(ep * jnp.log(ep + 1e-8))


def _route_rows(rows):
    minf = jnp.full((SC_LANES,), -jnp.inf, jnp.float32)
    m1 = rows[0]
    i1 = jnp.zeros((SC_LANES,), jnp.int32)
    for e in range(1, N_EXPERTS):
        g = rows[e] > m1
        m1 = jnp.where(g, rows[e], m1)
        i1 = jnp.where(g, jnp.int32(e), i1)
    m2 = minf
    i2 = jnp.zeros((SC_LANES,), jnp.int32)
    for e in range(N_EXPERTS):
        r = jnp.where(i1 == jnp.int32(e), minf, rows[e])
        g = r > m2
        m2 = jnp.where(g, r, m2)
        i2 = jnp.where(g, jnp.int32(e), i2)
    e2 = jnp.exp(m2 - m1)
    den = 1.0 + e2
    return 1.0 / den, e2 / den, i1, i2


def _sc_router(logits):
    n_tokens = logits.shape[1]
    per_w = n_tokens // SC_WORKERS
    mesh = plsc.VectorSubcoreMesh(core_axis_name="c", subcore_axis_name="s")

    @functools.partial(
        pl.kernel,
        mesh=mesh,
        out_type=[
            jax.ShapeDtypeStruct((2, n_tokens), jnp.float32),
            jax.ShapeDtypeStruct((2, n_tokens), jnp.int32),
        ],
        scratch_types=[
            pltpu.VMEM((N_EXPERTS, per_w), jnp.float32),
            pltpu.VMEM((2, per_w), jnp.float32),
            pltpu.VMEM((2, per_w), jnp.int32),
        ],
    )
    def router(l_hbm, p_hbm, i_hbm, l_v, p_v, i_v):
        wid = lax.axis_index("s") * 2 + lax.axis_index("c")
        base = wid * per_w
        pltpu.sync_copy(l_hbm.at[:, pl.ds(base, per_w)], l_v)

        @pl.loop(0, per_w, step=SC_LANES)
        def _(c):
            rows = [l_v[e, pl.ds(c, SC_LANES)] for e in range(N_EXPERTS)]
            p1, p2, i1, i2 = _route_rows(rows)
            p_v[0, pl.ds(c, SC_LANES)] = p1
            p_v[1, pl.ds(c, SC_LANES)] = p2
            i_v[0, pl.ds(c, SC_LANES)] = i1
            i_v[1, pl.ds(c, SC_LANES)] = i2

        pltpu.sync_copy(p_v, p_hbm.at[:, pl.ds(base, per_w)])
        pltpu.sync_copy(i_v, i_hbm.at[:, pl.ds(base, per_w)])

    return router(logits)


def kernel(x, W):
    b, s, d = x.shape
    n_tokens = b * s
    xf = x.reshape(n_tokens, d)
    n_steps = n_tokens // BLOCK_T

    logits, loss = pl.pallas_call(
        functools.partial(_logits_kernel, n_steps=n_steps, n_tokens=n_tokens),
        grid=(n_steps,),
        in_specs=[
            pl.BlockSpec((BLOCK_T, d), lambda i: (i, 0)),
            pl.BlockSpec((N_EXPERTS, d), lambda i: (0, 0)),
        ],
        out_specs=[
            pl.BlockSpec((N_EXPERTS, BLOCK_T), lambda i: (0, i)),
            pl.BlockSpec(memory_space=pltpu.SMEM),
        ],
        out_shape=[
            jax.ShapeDtypeStruct((N_EXPERTS, n_tokens), jnp.float32),
            jax.ShapeDtypeStruct((1, 1), jnp.float32),
        ],
        scratch_shapes=[pltpu.VMEM((N_EXPERTS, 1), jnp.float32)],
    )(xf, W)

    probs, idx = _sc_router(logits)
    return (probs.T.reshape(b, s, 2), idx.T.reshape(b, s, 2), loss[0, 0])

# --- scband reference (transcript-rebuilt; emitter-appended) ---
"""Pipeline reference for scband-load-balanced-router-50697793962042 (READ-ONLY COPY).

The authoritative reference and input builder live on the scoring server;
editing this copy changes nothing except your own understanding.
"""

import jax, jax.numpy as jnp
import numpy as np

D_MODEL = 2048
NUM_EXPERTS = 16
TOP_K = 2
LB_COEF = 0.01

def setup_inputs(seed: int = 0) -> dict:
    key = jax.random.key(seed)
    kx, kw = jax.random.split(key)
    x = jax.random.normal(kx, (4, 4096, D_MODEL), dtype=jnp.float32)
    # nn.Linear default init: U(-1/sqrt(fan_in), 1/sqrt(fan_in)), weight shape [out, in]
    bound = 1.0 / np.sqrt(D_MODEL)
    W = jax.random.uniform(kw, (NUM_EXPERTS, D_MODEL), dtype=jnp.float32, minval=-bound, maxval=bound)
    return {"x": x, "W": W}

def reference(x, W):
    # logits = x @ W^T  (nn.Linear with bias=False)
    logits = jnp.einsum('bsd,ed->bse', x, W)
    top_k_logits, top_k_indices = jax.lax.top_k(logits, TOP_K)
    top_k_probs = jax.nn.softmax(top_k_logits, axis=-1)
    router_probs = jax.nn.softmax(logits, axis=-1)
    expert_probs = router_probs.mean(axis=(0, 1))
    load_balancing_loss = LB_COEF * (expert_probs * jnp.log(expert_probs + 1e-08)).sum()
    return (top_k_probs, top_k_indices, load_balancing_loss)

if __name__ == "__main__":
    import jax
    _d = setup_inputs()
    print(jax.jit(kernel)(*tuple(_d.values())))

</pallas_src>

<mosaic_0001>
#map = affine_map<(d0, d1) -> (0, 0)>
module attributes {stable_mosaic.version = 14 : i64} {
  func.func @router(%arg0: i32, %arg1: i32, %arg2: memref<16x16384xf32, #tpu.memory_space<hbm>>, %arg3: memref<2x16384xf32, #tpu.memory_space<hbm>>, %arg4: memref<2x16384xi32, #tpu.memory_space<hbm>>, %arg5: memref<16x512xf32, #tpu.memory_space<vmem>>, %arg6: memref<2x512xf32, #tpu.memory_space<vmem>>, %arg7: memref<2x512xi32, #tpu.memory_space<vmem>>) attributes {dimension_semantics = [#tpu.dimension_semantics<core_parallel>, #tpu.dimension_semantics<subcore_parallel>], iteration_bounds = array<i64: 2, 16>, scalar_prefetch = 0 : i64, scratch_operands = 3 : i64, tpu.core_type = #tpu.core_type<sc_vector_subcore>, window_params = [{transform_indices = #map}, {transform_indices = #map}, {transform_indices = #map}]} {
    %mul3A = arith.constant 2 : i32
    %mul3A_0 = arith.muli %arg1, %mul3A : i32
    %add3A = arith.addi %mul3A_0, %arg0 : i32
    %mul3A_1 = arith.constant 512 : i32
    %mul3A_2 = arith.muli %add3A, %mul3A_1 : i32
    "tpu.region"() ({
      %run_scoped3A = tpu.sem_alloc : memref<!tpu.dma_semaphore, #tpu.memory_space<semaphore_mem>>
      %dma_start3A = arith.constant 0 : i32
      %dma_start3A_7 = tpu.memref_slice %arg2[%dma_start3A, %mul3A_2] : memref<16x16384xf32, #tpu.memory_space<hbm>> -> memref<16x512xf32, #tpu.memory_space<hbm>>
      %dma_start3A_8 = arith.constant 0 : i32
      %dma_start3A_9 = tpu.memref_slice %arg2[%dma_start3A_8, %mul3A_2] : memref<16x16384xf32, #tpu.memory_space<hbm>> -> memref<16x512xf32, #tpu.memory_space<hbm>>
      tpu.enqueue_dma source(%dma_start3A_9 : memref<16x512xf32, #tpu.memory_space<hbm>>) target(%arg5 : memref<16x512xf32, #tpu.memory_space<vmem>>) target_semaphore(%run_scoped3A : memref<!tpu.dma_semaphore, #tpu.memory_space<semaphore_mem>>)
      %dma_wait3A = arith.constant 0 : i32
      %dma_wait3A_10 = tpu.memref_slice %arg2[%dma_wait3A, %mul3A_2] : memref<16x16384xf32, #tpu.memory_space<hbm>> -> memref<16x512xf32, #tpu.memory_space<hbm>>
      %dma_wait3A_11 = arith.constant 0 : i32
      %dma_wait3A_12 = tpu.memref_slice %arg2[%dma_wait3A_11, %mul3A_2] : memref<16x16384xf32, #tpu.memory_space<hbm>> -> memref<16x512xf32, #tpu.memory_space<hbm>>
      tpu.wait_dma2 semaphore(%run_scoped3A : memref<!tpu.dma_semaphore, #tpu.memory_space<semaphore_mem>>) src(%dma_wait3A_12 : memref<16x512xf32, #tpu.memory_space<hbm>>) dst(%arg5 : memref<16x512xf32, #tpu.memory_space<vmem>>)
      tpu.yield
    }) : () -> ()
    %scan3A = arith.constant 0 : i32
    %scan3A_3 = arith.constant 32 : i32
    %scan3A_4 = arith.addi %scan3A, %scan3A_3 : i32
    %scan3A_5 = arith.constant 1 : i32
    scf.for %scan3A_7 = %scan3A to %scan3A_4 step %scan3A_5  : i32 {
      %mul3A_8 = arith.constant 16 : i32
      %mul3A_9 = arith.muli %scan3A_7, %mul3A_8 : i32
      %add3A_10 = arith.constant 0 : i32
      %add3A_11 = arith.addi %add3A_10, %mul3A_9 : i32
      %get3A = arith.constant 0 : i32
      %get3A_12 = arith.index_cast %get3A : i32 to index
      %get3A_13 = arith.index_cast %add3A_11 : i32 to index
      %get3A_14 = tpu.vector_load %arg5[%get3A_12, %get3A_13] {strides = array<i32>} : memref<16x512xf32, #tpu.memory_space<vmem>>, vector<1x16xf32>,
      %get3A_15 = vector.shape_cast %get3A_14 : vector<1x16xf32> to vector<16xf32>
      %get3A_16 = arith.constant 1 : i32
      %get3A_17 = arith.index_cast %get3A_16 : i32 to index
      %get3A_18 = arith.index_cast %add3A_11 : i32 to index
      %get3A_19 = tpu.vector_load %arg5[%get3A_17, %get3A_18] {strides = array<i32>} : memref<16x512xf32, #tpu.memory_space<vmem>>, vector<1x16xf32>,
      %get3A_20 = vector.shape_cast %get3A_19 : vector<1x16xf32> to vector<16xf32>
      %get3A_21 = arith.constant 2 : i32
      %get3A_22 = arith.index_cast %get3A_21 : i32 to index
      %get3A_23 = arith.index_cast %add3A_11 : i32 to index
      %get3A_24 = tpu.vector_load %arg5[%get3A_22, %get3A_23] {strides = array<i32>} : memref<16x512xf32, #tpu.memory_space<vmem>>, vector<1x16xf32>,
      %get3A_25 = vector.shape_cast %get3A_24 : vector<1x16xf32> to vector<16xf32>
      %get3A_26 = arith.constant 3 : i32
      %get3A_27 = arith.index_cast %get3A_26 : i32 to index
      %get3A_28 = arith.index_cast %add3A_11 : i32 to index
      %get3A_29 = tpu.vector_load %arg5[%get3A_27, %get3A_28] {strides = array<i32>} : memref<16x512xf32, #tpu.memory_space<vmem>>, vector<1x16xf32>,
      %get3A_30 = vector.shape_cast %get3A_29 : vector<1x16xf32> to vector<16xf32>
      %get3A_31 = arith.constant 4 : i32
      %get3A_32 = arith.index_cast %get3A_31 : i32 to index
      %get3A_33 = arith.index_cast %add3A_11 : i32 to index
      %get3A_34 = tpu.vector_load %arg5[%get3A_32, %get3A_33] {strides = array<i32>} : memref<16x512xf32, #tpu.memory_space<vmem>>, vector<1x16xf32>,
      %get3A_35 = vector.shape_cast %get3A_34 : vector<1x16xf32> to vector<16xf32>
      %get3A_36 = arith.constant 5 : i32
      %get3A_37 = arith.index_cast %get3A_36 : i32 to index
      %get3A_38 = arith.index_cast %add3A_11 : i32 to index
      %get3A_39 = tpu.vector_load %arg5[%get3A_37, %get3A_38] {strides = array<i32>} : memref<16x512xf32, #tpu.memory_space<vmem>>, vector<1x16xf32>,
      %get3A_40 = vector.shape_cast %get3A_39 : vector<1x16xf32> to vector<16xf32>
      %get3A_41 = arith.constant 6 : i32
      %get3A_42 = arith.index_cast %get3A_41 : i32 to index
      %get3A_43 = arith.index_cast %add3A_11 : i32 to index
      %get3A_44 = tpu.vector_load %arg5[%get3A_42, %get3A_43] {strides = array<i32>} : memref<16x512xf32, #tpu.memory_space<vmem>>, vector<1x16xf32>,
      %get3A_45 = vector.shape_cast %get3A_44 : vector<1x16xf32> to vector<16xf32>
      %get3A_46 = arith.constant 7 : i32
      %get3A_47 = arith.index_cast %get3A_46 : i32 to index
      %get3A_48 = arith.index_cast %add3A_11 : i32 to index
      %get3A_49 = tpu.vector_load %arg5[%get3A_47, %get3A_48] {strides = array<i32>} : memref<16x512xf32, #tpu.memory_space<vmem>>, vector<1x16xf32>,
      %get3A_50 = vector.shape_cast %get3A_49 : vector<1x16xf32> to vector<16xf32>
      %get3A_51 = arith.constant 8 : i32
      %get3A_52 = arith.index_cast %get3A_51 : i32 to index
      %get3A_53 = arith.index_cast %add3A_11 : i32 to index
      %get3A_54 = tpu.vector_load %arg5[%get3A_52, %get3A_53] {strides = array<i32>} : memref<16x512xf32, #tpu.memory_space<vmem>>, vector<1x16xf32>,
      %get3A_55 = vector.shape_cast %get3A_54 : vector<1x16xf32> to vector<16xf32>
      %get3A_56 = arith.constant 9 : i32
      %get3A_57 = arith.index_cast %get3A_56 : i32 to index
      %get3A_58 = arith.index_cast %add3A_11 : i32 to index
      %get3A_59 = tpu.vector_load %arg5[%get3A_57, %get3A_58] {strides = array<i32>} : memref<16x512xf32, #tpu.memory_space<vmem>>, vector<1x16xf32>,
      %get3A_60 = vector.shape_cast %get3A_59 : vector<1x16xf32> to vector<16xf32>
      %get3A_61 = arith.constant 10 : i32
      %get3A_62 = arith.index_cast %get3A_61 : i32 to index
      %get3A_63 = arith.index_cast %add3A_11 : i32 to index
      %get3A_64 = tpu.vector_load %arg5[%get3A_62, %get3A_63] {strides = array<i32>} : memref<16x512xf32, #tpu.memory_space<vmem>>, vector<1x16xf32>,
      %get3A_65 = vector.shape_cast %get3A_64 : vector<1x16xf32> to vector<16xf32>
      %get3A_66 = arith.constant 11 : i32
      %get3A_67 = arith.index_cast %get3A_66 : i32 to index
      %get3A_68 = arith.index_cast %add3A_11 : i32 to index
      %get3A_69 = tpu.vector_load %arg5[%get3A_67, %get3A_68] {strides = array<i32>} : memref<16x512xf32, #tpu.memory_space<vmem>>, vector<1x16xf32>,
      %get3A_70 = vector.shape_cast %get3A_69 : vector<1x16xf32> to vector<16xf32>
      %get3A_71 = arith.constant 12 : i32
      %get3A_72 = arith.index_cast %get3A_71 : i32 to index
      %get3A_73 = arith.index_cast %add3A_11 : i32 to index
      %get3A_74 = tpu.vector_load %arg5[%get3A_72, %get3A_73] {strides = array<i32>} : memref<16x512xf32, #tpu.memory_space<vmem>>, vector<1x16xf32>,
      %get3A_75 = vector.shape_cast %get3A_74 : vector<1x16xf32> to vector<16xf32>
      %get3A_76 = arith.constant 13 : i32
      %get3A_77 = arith.index_cast %get3A_76 : i32 to index
      %get3A_78 = arith.index_cast %add3A_11 : i32 to index
      %get3A_79 = tpu.vector_load %arg5[%get3A_77, %get3A_78] {strides = array<i32>} : memref<16x512xf32, #tpu.memory_space<vmem>>, vector<1x16xf32>,
      %get3A_80 = vector.shape_cast %get3A_79 : vector<1x16xf32> to vector<16xf32>
      %get3A_81 = arith.constant 14 : i32
      %get3A_82 = arith.index_cast %get3A_81 : i32 to index
      %get3A_83 = arith.index_cast %add3A_11 : i32 to index
      %get3A_84 = tpu.vector_load %arg5[%get3A_82, %get3A_83] {strides = array<i32>} : memref<16x512xf32, #tpu.memory_space<vmem>>, vector<1x16xf32>,
      %get3A_85 = vector.shape_cast %get3A_84 : vector<1x16xf32> to vector<16xf32>
      %get3A_86 = arith.constant 15 : i32
      %get3A_87 = arith.index_cast %get3A_86 : i32 to index
      %get3A_88 = arith.index_cast %add3A_11 : i32 to index
      %get3A_89 = tpu.vector_load %arg5[%get3A_87, %get3A_88] {strides = array<i32>} : memref<16x512xf32, #tpu.memory_space<vmem>>, vector<1x16xf32>,
      %get3A_90 = vector.shape_cast %get3A_89 : vector<1x16xf32> to vector<16xf32>
      %broadcast_in_dim3A = arith.constant 0xFF800000 : f32
      %broadcast_in_dim3A_91 = vector.broadcast %broadcast_in_dim3A : f32 to vector<16xf32>
      %broadcast_in_dim3A_92 = arith.constant 0 : i32
      %broadcast_in_dim3A_93 = vector.broadcast %broadcast_in_dim3A_92 : i32 to vector<16xi32>
      %gt3A = arith.cmpf ogt, %get3A_20, %get3A_15 : vector<16xf32>
      %select_n3A = arith.select %gt3A, %get3A_20, %get3A_15 : vector<16xi1>, vector<16xf32>
      %jit3A = arith.constant 1 : i32
      %broadcast_in_dim3A_94 = vector.broadcast %jit3A : i32 to vector<16xi32>
      %select_n3A_95 = arith.select %gt3A, %broadcast_in_dim3A_94, %broadcast_in_dim3A_93 : vector<16xi1>, vector<16xi32>
      %gt3A_96 = arith.cmpf ogt, %get3A_25, %select_n3A : vector<16xf32>
      %select_n3A_97 = arith.select %gt3A_96, %get3A_25, %select_n3A : vector<16xi1>, vector<16xf32>
      %jit3A_98 = arith.constant 2 : i32
      %broadcast_in_dim3A_99 = vector.broadcast %jit3A_98 : i32 to vector<16xi32>
      %select_n3A_100 = arith.select %gt3A_96, %broadcast_in_dim3A_99, %select_n3A_95 : vector<16xi1>, vector<16xi32>
      %gt3A_101 = arith.cmpf ogt, %get3A_30, %select_n3A_97 : vector<16xf32>
      %select_n3A_102 = arith.select %gt3A_101, %get3A_30, %select_n3A_97 : vector<16xi1>, vector<16xf32>
      %jit3A_103 = arith.constant 3 : i32
      %broadcast_in_dim3A_104 = vector.broadcast %jit3A_103 : i32 to vector<16xi32>
      %select_n3A_105 = arith.select %gt3A_101, %broadcast_in_dim3A_104, %select_n3A_100 : vector<16xi1>, vector<16xi32>
      %gt3A_106 = arith.cmpf ogt, %get3A_35, %select_n3A_102 : vector<16xf32>
      %select_n3A_107 = arith.select %gt3A_106, %get3A_35, %select_n3A_102 : vector<16xi1>, vector<16xf32>
      %jit3A_108 = arith.constant 4 : i32
      %broadcast_in_dim3A_109 = vector.broadcast %jit3A_108 : i32 to vector<16xi32>
      %select_n3A_110 = arith.select %gt3A_106, %broadcast_in_dim3A_109, %select_n3A_105 : vector<16xi1>, vector<16xi32>
      %gt3A_111 = arith.cmpf ogt, %get3A_40, %select_n3A_107 : vector<16xf32>
      %select_n3A_112 = arith.select %gt3A_111, %get3A_40, %select_n3A_107 : vector<16xi1>, vector<16xf32>
      %jit3A_113 = arith.constant 5 : i32
      %broadcast_in_dim3A_114 = vector.broadcast %jit3A_113 : i32 to vector<16xi32>
      %select_n3A_115 = arith.select %gt3A_111, %broadcast_in_dim3A_114, %select_n3A_110 : vector<16xi1>, vector<16xi32>
      %gt3A_116 = arith.cmpf ogt, %get3A_45, %select_n3A_112 : vector<16xf32>
      %select_n3A_117 = arith.select %gt3A_116, %get3A_45, %select_n3A_112 : vector<16xi1>, vector<16xf32>
      %jit3A_118 = arith.constant 6 : i32
      %broadcast_in_dim3A_119 = vector.broadcast %jit3A_118 : i32 to vector<16xi32>
      %select_n3A_120 = arith.select %gt3A_116, %broadcast_in_dim3A_119, %select_n3A_115 : vector<16xi1>, vector<16xi32>
      %gt3A_121 = arith.cmpf ogt, %get3A_50, %select_n3A_117 : vector<16xf32>
      %select_n3A_122 = arith.select %gt3A_121, %get3A_50, %select_n3A_117 : vector<16xi1>, vector<16xf32>
      %jit3A_123 = arith.constant 7 : i32
      %broadcast_in_dim3A_124 = vector.broadcast %jit3A_123 : i32 to vector<16xi32>
      %select_n3A_125 = arith.select %gt3A_121, %broadcast_in_dim3A_124, %select_n3A_120 : vector<16xi1>, vector<16xi32>
      %gt3A_126 = arith.cmpf ogt, %get3A_55, %select_n3A_122 : vector<16xf32>
      %select_n3A_127 = arith.select %gt3A_126, %get3A_55, %select_n3A_122 : vector<16xi1>, vector<16xf32>
      %jit3A_128 = arith.constant 8 : i32
      %broadcast_in_dim3A_129 = vector.broadcast %jit3A_128 : i32 to vector<16xi32>
      %select_n3A_130 = arith.select %gt3A_126, %broadcast_in_dim3A_129, %select_n3A_125 : vector<16xi1>, vector<16xi32>
      %gt3A_131 = arith.cmpf ogt, %get3A_60, %select_n3A_127 : vector<16xf32>
      %select_n3A_132 = arith.select %gt3A_131, %get3A_60, %select_n3A_127 : vector<16xi1>, vector<16xf32>
      %jit3A_133 = arith.constant 9 : i32
      %broadcast_in_dim3A_134 = vector.broadcast %jit3A_133 : i32 to vector<16xi32>
      %select_n3A_135 = arith.select %gt3A_131, %broadcast_in_dim3A_134, %select_n3A_130 : vector<16xi1>, vector<16xi32>
      %gt3A_136 = arith.cmpf ogt, %get3A_65, %select_n3A_132 : vector<16xf32>
      %select_n3A_137 = arith.select %gt3A_136, %get3A_65, %select_n3A_132 : vector<16xi1>, vector<16xf32>
      %jit3A_138 = arith.constant 10 : i32
      %broadcast_in_dim3A_139 = vector.broadcast %jit3A_138 : i32 to vector<16xi32>
      %select_n3A_140 = arith.select %gt3A_136, %broadcast_in_dim3A_139, %select_n3A_135 : vector<16xi1>, vector<16xi32>
      %gt3A_141 = arith.cmpf ogt, %get3A_70, %select_n3A_137 : vector<16xf32>
      %select_n3A_142 = arith.select %gt3A_141, %get3A_70, %select_n3A_137 : vector<16xi1>, vector<16xf32>
      %jit3A_143 = arith.constant 11 : i32
      %broadcast_in_dim3A_144 = vector.broadcast %jit3A_143 : i32 to vector<16xi32>
      %select_n3A_145 = arith.select %gt3A_141, %broadcast_in_dim3A_144, %select_n3A_140 : vector<16xi1>, vector<16xi32>
      %gt3A_146 = arith.cmpf ogt, %get3A_75, %select_n3A_142 : vector<16xf32>
      %select_n3A_147 = arith.select %gt3A_146, %get3A_75, %select_n3A_142 : vector<16xi1>, vector<16xf32>
      %jit3A_148 = arith.constant 12 : i32
      %broadcast_in_dim3A_149 = vector.broadcast %jit3A_148 : i32 to vector<16xi32>
      %select_n3A_150 = arith.select %gt3A_146, %broadcast_in_dim3A_149, %select_n3A_145 : vector<16xi1>, vector<16xi32>
      %gt3A_151 = arith.cmpf ogt, %get3A_80, %select_n3A_147 : vector<16xf32>
      %select_n3A_152 = arith.select %gt3A_151, %get3A_80, %select_n3A_147 : vector<16xi1>, vector<16xf32>
      %jit3A_153 = arith.constant 13 : i32
      %broadcast_in_dim3A_154 = vector.broadcast %jit3A_153 : i32 to vector<16xi32>
      %select_n3A_155 = arith.select %gt3A_151, %broadcast_in_dim3A_154, %select_n3A_150 : vector<16xi1>, vector<16xi32>
      %gt3A_156 = arith.cmpf ogt, %get3A_85, %select_n3A_152 : vector<16xf32>
      %select_n3A_157 = arith.select %gt3A_156, %get3A_85, %select_n3A_152 : vector<16xi1>, vector<16xf32>
      %jit3A_158 = arith.constant 14 : i32
      %broadcast_in_dim3A_159 = vector.broadcast %jit3A_158 : i32 to vector<16xi32>
      %select_n3A_160 = arith.select %gt3A_156, %broadcast_in_dim3A_159, %select_n3A_155 : vector<16xi1>, vector<16xi32>
      %gt3A_161 = arith.cmpf ogt, %get3A_90, %select_n3A_157 : vector<16xf32>
      %select_n3A_162 = arith.select %gt3A_161, %get3A_90, %select_n3A_157 : vector<16xi1>, vector<16xf32>
      %jit3A_163 = arith.constant 15 : i32
      %broadcast_in_dim3A_164 = vector.broadcast %jit3A_163 : i32 to vector<16xi32>
      %select_n3A_165 = arith.select %gt3A_161, %broadcast_in_dim3A_164, %select_n3A_160 : vector<16xi1>, vector<16xi32>
      %broadcast_in_dim3A_166 = arith.constant 0 : i32
      %broadcast_in_dim3A_167 = vector.broadcast %broadcast_in_dim3A_166 : i32 to vector<16xi32>
      %eq3A = arith.constant 0 : i32
      %eq3A_168 = vector.broadcast %eq3A : i32 to vector<16xi32>
      %eq3A_169 = arith.cmpi eq, %select_n3A_165, %eq3A_168 : vector<16xi32>
      %select_n3A_170 = arith.select %eq3A_169, %broadcast_in_dim3A_91, %get3A_15 : vector<16xi1>, vector<16xf32>
      %gt3A_171 = arith.cmpf ogt, %select_n3A_170, %broadcast_in_dim3A_91 : vector<16xf32>
      %select_n3A_172 = arith.select %gt3A_171, %select_n3A_170, %broadcast_in_dim3A_91 : vector<16xi1>, vector<16xf32>
      %jit3A_173 = arith.constant 0 : i32
      %broadcast_in_dim3A_174 = vector.broadcast %jit3A_173 : i32 to vector<16xi32>
      %select_n3A_175 = arith.select %gt3A_171, %broadcast_in_dim3A_174, %broadcast_in_dim3A_167 : vector<16xi1>, vector<16xi32>
      %eq3A_176 = arith.constant 1 : i32
      %eq3A_177 = vector.broadcast %eq3A_176 : i32 to vector<16xi32>
      %eq3A_178 = arith.cmpi eq, %select_n3A_165, %eq3A_177 : vector<16xi32>
      %select_n3A_179 = arith.select %eq3A_178, %broadcast_in_dim3A_91, %get3A_20 : vector<16xi1>, vector<16xf32>
      %gt3A_180 = arith.cmpf ogt, %select_n3A_179, %select_n3A_172 : vector<16xf32>
      %select_n3A_181 = arith.select %gt3A_180, %select_n3A_179, %select_n3A_172 : vector<16xi1>, vector<16xf32>
      %jit3A_182 = arith.constant 1 : i32
      %broadcast_in_dim3A_183 = vector.broadcast %jit3A_182 : i32 to vector<16xi32>
      %select_n3A_184 = arith.select %gt3A_180, %broadcast_in_dim3A_183, %select_n3A_175 : vector<16xi1>, vector<16xi32>
      %eq3A_185 = arith.constant 2 : i32
      %eq3A_186 = vector.broadcast %eq3A_185 : i32 to vector<16xi32>
      %eq3A_187 = arith.cmpi eq, %select_n3A_165, %eq3A_186 : vector<16xi32>
      %select_n3A_188 = arith.select %eq3A_187, %broadcast_in_dim3A_91, %get3A_25 : vector<16xi1>, vector<16xf32>
      %gt3A_189 = arith.cmpf ogt, %select_n3A_188, %select_n3A_181 : vector<16xf32>
      %select_n3A_190 = arith.select %gt3A_189, %select_n3A_188, %select_n3A_181 : vector<16xi1>, vector<16xf32>
      %jit3A_191 = arith.constant 2 : i32
      %broadcast_in_dim3A_192 = vector.broadcast %jit3A_191 : i32 to vector<16xi32>
      %select_n3A_193 = arith.select %gt3A_189, %broadcast_in_dim3A_192, %select_n3A_184 : vector<16xi1>, vector<16xi32>
      %eq3A_194 = arith.constant 3 : i32
      %eq3A_195 = vector.broadcast %eq3A_194 : i32 to vector<16xi32>
      %eq3A_196 = arith.cmpi eq, %select_n3A_165, %eq3A_195 : vector<16xi32>
      %select_n3A_197 = arith.select %eq3A_196, %broadcast_in_dim3A_91, %get3A_30 : vector<16xi1>, vector<16xf32>
      %gt3A_198 = arith.cmpf ogt, %select_n3A_197, %select_n3A_190 : vector<16xf32>
      %select_n3A_199 = arith.select %gt3A_198, %select_n3A_197, %select_n3A_190 : vector<16xi1>, vector<16xf32>
      %jit3A_200 = arith.constant 3 : i32
      %broadcast_in_dim3A_201 = vector.broadcast %jit3A_200 : i32 to vector<16xi32>
      %select_n3A_202 = arith.select %gt3A_198, %broadcast_in_dim3A_201, %select_n3A_193 : vector<16xi1>, vector<16xi32>
      %eq3A_203 = arith.constant 4 : i32
      %eq3A_204 = vector.broadcast %eq3A_203 : i32 to vector<16xi32>
      %eq3A_205 = arith.cmpi eq, %select_n3A_165, %eq3A_204 : vector<16xi32>
      %select_n3A_206 = arith.select %eq3A_205, %broadcast_in_dim3A_91, %get3A_35 : vector<16xi1>, vector<16xf32>
      %gt3A_207 = arith.cmpf ogt, %select_n3A_206, %select_n3A_199 : vector<16xf32>
      %select_n3A_208 = arith.select %gt3A_207, %select_n3A_206, %select_n3A_199 : vector<16xi1>, vector<16xf32>
      %jit3A_209 = arith.constant 4 : i32
      %broadcast_in_dim3A_210 = vector.broadcast %jit3A_209 : i32 to vector<16xi32>
      %select_n3A_211 = arith.select %gt3A_207, %broadcast_in_dim3A_210, %select_n3A_202 : vector<16xi1>, vector<16xi32>
      %eq3A_212 = arith.constant 5 : i32
      %eq3A_213 = vector.broadcast %eq3A_212 : i32 to vector<16xi32>
      %eq3A_214 = arith.cmpi eq, %select_n3A_165, %eq3A_213 : vector<16xi32>
      %select_n3A_215 = arith.select %eq3A_214, %broadcast_in_dim3A_91, %get3A_40 : vector<16xi1>, vector<16xf32>
      %gt3A_216 = arith.cmpf ogt, %select_n3A_215, %select_n3A_208 : vector<16xf32>
      %select_n3A_217 = arith.select %gt3A_216, %select_n3A_215, %select_n3A_208 : vector<16xi1>, vector<16xf32>
      %jit3A_218 = arith.constant 5 : i32
      %broadcast_in_dim3A_219 = vector.broadcast %jit3A_218 : i32 to vector<16xi32>
      %select_n3A_220 = arith.select %gt3A_216, %broadcast_in_dim3A_219, %select_n3A_211 : vector<16xi1>, vector<16xi32>
      %eq3A_221 = arith.constant 6 : i32
      %eq3A_222 = vector.broadcast %eq3A_221 : i32 to vector<16xi32>
      %eq3A_223 = arith.cmpi eq, %select_n3A_165, %eq3A_222 : vector<16xi32>
      %select_n3A_224 = arith.select %eq3A_223, %broadcast_in_dim3A_91, %get3A_45 : vector<16xi1>, vector<16xf32>
      %gt3A_225 = arith.cmpf ogt, %select_n3A_224, %select_n3A_217 : vector<16xf32>
      %select_n3A_226 = arith.select %gt3A_225, %select_n3A_224, %select_n3A_217 : vector<16xi1>, vector<16xf32>
      %jit3A_227 = arith.constant 6 : i32
      %broadcast_in_dim3A_228 = vector.broadcast %jit3A_227 : i32 to vector<16xi32>
      %select_n3A_229 = arith.select %gt3A_225, %broadcast_in_dim3A_228, %select_n3A_220 : vector<16xi1>, vector<16xi32>
      %eq3A_230 = arith.constant 7 : i32
      %eq3A_231 = vector.broadcast %eq3A_230 : i32 to vector<16xi32>
      %eq3A_232 = arith.cmpi eq, %select_n3A_165, %eq3A_231 : vector<16xi32>
      %select_n3A_233 = arith.select %eq3A_232, %broadcast_in_dim3A_91, %get3A_50 : vector<16xi1>, vector<16xf32>
      %gt3A_234 = arith.cmpf ogt, %select_n3A_233, %select_n3A_226 : vector<16xf32>
      %select_n3A_235 = arith.select %gt3A_234, %select_n3A_233, %select_n3A_226 : vector<16xi1>, vector<16xf32>
      %jit3A_236 = arith.constant 7 : i32
      %broadcast_in_dim3A_237 = vector.broadcast %jit3A_236 : i32 to vector<16xi32>
      %select_n3A_238 = arith.select %gt3A_234, %broadcast_in_dim3A_237, %select_n3A_229 : vector<16xi1>, vector<16xi32>
      %eq3A_239 = arith.constant 8 : i32
      %eq3A_240 = vector.broadcast %eq3A_239 : i32 to vector<16xi32>
      %eq3A_241 = arith.cmpi eq, %select_n3A_165, %eq3A_240 : vector<16xi32>
      %select_n3A_242 = arith.select %eq3A_241, %broadcast_in_dim3A_91, %get3A_55 : vector<16xi1>, vector<16xf32>
      %gt3A_243 = arith.cmpf ogt, %select_n3A_242, %select_n3A_235 : vector<16xf32>
      %select_n3A_244 = arith.select %gt3A_243, %select_n3A_242, %select_n3A_235 : vector<16xi1>, vector<16xf32>
      %jit3A_245 = arith.constant 8 : i32
      %broadcast_in_dim3A_246 = vector.broadcast %jit3A_245 : i32 to vector<16xi32>
      %select_n3A_247 = arith.select %gt3A_243, %broadcast_in_dim3A_246, %select_n3A_238 : vector<16xi1>, vector<16xi32>
      %eq3A_248 = arith.constant 9 : i32
      %eq3A_249 = vector.broadcast %eq3A_248 : i32 to vector<16xi32>
      %eq3A_250 = arith.cmpi eq, %select_n3A_165, %eq3A_249 : vector<16xi32>
      %select_n3A_251 = arith.select %eq3A_250, %broadcast_in_dim3A_91, %get3A_60 : vector<16xi1>, vector<16xf32>
      %gt3A_252 = arith.cmpf ogt, %select_n3A_251, %select_n3A_244 : vector<16xf32>
      %select_n3A_253 = arith.select %gt3A_252, %select_n3A_251, %select_n3A_244 : vector<16xi1>, vector<16xf32>
      %jit3A_254 = arith.constant 9 : i32
      %broadcast_in_dim3A_255 = vector.broadcast %jit3A_254 : i32 to vector<16xi32>
      %select_n3A_256 = arith.select %gt3A_252, %broadcast_in_dim3A_255, %select_n3A_247 : vector<16xi1>, vector<16xi32>
      %eq3A_257 = arith.constant 10 : i32
      %eq3A_258 = vector.broadcast %eq3A_257 : i32 to vector<16xi32>
      %eq3A_259 = arith.cmpi eq, %select_n3A_165, %eq3A_258 : vector<16xi32>
      %select_n3A_260 = arith.select %eq3A_259, %broadcast_in_dim3A_91, %get3A_65 : vector<16xi1>, vector<16xf32>
      %gt3A_261 = arith.cmpf ogt, %select_n3A_260, %select_n3A_253 : vector<16xf32>
      %select_n3A_262 = arith.select %gt3A_261, %select_n3A_260, %select_n3A_253 : vector<16xi1>, vector<16xf32>
      %jit3A_263 = arith.constant 10 : i32
      %broadcast_in_dim3A_264 = vector.broadcast %jit3A_263 : i32 to vector<16xi32>
      %select_n3A_265 = arith.select %gt3A_261, %broadcast_in_dim3A_264, %select_n3A_256 : vector<16xi1>, vector<16xi32>
      %eq3A_266 = arith.constant 11 : i32
      %eq3A_267 = vector.broadcast %eq3A_266 : i32 to vector<16xi32>
      %eq3A_268 = arith.cmpi eq, %select_n3A_165, %eq3A_267 : vector<16xi32>
      %select_n3A_269 = arith.select %eq3A_268, %broadcast_in_dim3A_91, %get3A_70 : vector<16xi1>, vector<16xf32>
      %gt3A_270 = arith.cmpf ogt, %select_n3A_269, %select_n3A_262 : vector<16xf32>
      %select_n3A_271 = arith.select %gt3A_270, %select_n3A_269, %select_n3A_262 : vector<16xi1>, vector<16xf32>
      %jit3A_272 = arith.constant 11 : i32
      %broadcast_in_dim3A_273 = vector.broadcast %jit3A_272 : i32 to vector<16xi32>
      %select_n3A_274 = arith.select %gt3A_270, %broadcast_in_dim3A_273, %select_n3A_265 : vector<16xi1>, vector<16xi32>
      %eq3A_275 = arith.constant 12 : i32
      %eq3A_276 = vector.broadcast %eq3A_275 : i32 to vector<16xi32>
      %eq3A_277 = arith.cmpi eq, %select_n3A_165, %eq3A_276 : vector<16xi32>
      %select_n3A_278 = arith.select %eq3A_277, %broadcast_in_dim3A_91, %get3A_75 : vector<16xi1>, vector<16xf32>
      %gt3A_279 = arith.cmpf ogt, %select_n3A_278, %select_n3A_271 : vector<16xf32>
      %select_n3A_280 = arith.select %gt3A_279, %select_n3A_278, %select_n3A_271 : vector<16xi1>, vector<16xf32>
      %jit3A_281 = arith.constant 12 : i32
      %broadcast_in_dim3A_282 = vector.broadcast %jit3A_281 : i32 to vector<16xi32>
      %select_n3A_283 = arith.select %gt3A_279, %broadcast_in_dim3A_282, %select_n3A_274 : vector<16xi1>, vector<16xi32>
      %eq3A_284 = arith.constant 13 : i32
      %eq3A_285 = vector.broadcast %eq3A_284 : i32 to vector<16xi32>
      %eq3A_286 = arith.cmpi eq, %select_n3A_165, %eq3A_285 : vector<16xi32>
      %select_n3A_287 = arith.select %eq3A_286, %broadcast_in_dim3A_91, %get3A_80 : vector<16xi1>, vector<16xf32>
      %gt3A_288 = arith.cmpf ogt, %select_n3A_287, %select_n3A_280 : vector<16xf32>
      %select_n3A_289 = arith.select %gt3A_288, %select_n3A_287, %select_n3A_280 : vector<16xi1>, vector<16xf32>
      %jit3A_290 = arith.constant 13 : i32
      %broadcast_in_dim3A_291 = vector.broadcast %jit3A_290 : i32 to vector<16xi32>
      %select_n3A_292 = arith.select %gt3A_288, %broadcast_in_dim3A_291, %select_n3A_283 : vector<16xi1>, vector<16xi32>
      %eq3A_293 = arith.constant 14 : i32
      %eq3A_294 = vector.broadcast %eq3A_293 : i32 to vector<16xi32>
      %eq3A_295 = arith.cmpi eq, %select_n3A_165, %eq3A_294 : vector<16xi32>
      %select_n3A_296 = arith.select %eq3A_295, %broadcast_in_dim3A_91, %get3A_85 : vector<16xi1>, vector<16xf32>
      %gt3A_297 = arith.cmpf ogt, %select_n3A_296, %select_n3A_289 : vector<16xf32>
      %select_n3A_298 = arith.select %gt3A_297, %select_n3A_296, %select_n3A_289 : vector<16xi1>, vector<16xf32>
      %jit3A_299 = arith.constant 14 : i32
      %broadcast_in_dim3A_300 = vector.broadcast %jit3A_299 : i32 to vector<16xi32>
      %select_n3A_301 = arith.select %gt3A_297, %broadcast_in_dim3A_300, %select_n3A_292 : vector<16xi1>, vector<16xi32>
      %eq3A_302 = arith.constant 15 : i32
      %eq3A_303 = vector.broadcast %eq3A_302 : i32 to vector<16xi32>
      %eq3A_304 = arith.cmpi eq, %select_n3A_165, %eq3A_303 : vector<16xi32>
      %select_n3A_305 = arith.select %eq3A_304, %broadcast_in_dim3A_91, %get3A_90 : vector<16xi1>, vector<16xf32>
      %gt3A_306 = arith.cmpf ogt, %select_n3A_305, %select_n3A_298 : vector<16xf32>
      %select_n3A_307 = arith.select %gt3A_306, %select_n3A_305, %select_n3A_298 : vector<16xi1>, vector<16xf32>
      %jit3A_308 = arith.constant 15 : i32
      %broadcast_in_dim3A_309 = vector.broadcast %jit3A_308 : i32 to vector<16xi32>
      %select_n3A_310 = arith.select %gt3A_306, %broadcast_in_dim3A_309, %select_n3A_301 : vector<16xi1>, vector<16xi32>
      %sub3A = arith.subf %select_n3A_307, %select_n3A_162 : vector<16xf32>
      %exp3A = math.exp %sub3A : vector<16xf32>
      %add3A_311 = arith.constant 1.000000e+00 : f32
      %add3A_312 = vector.broadcast %add3A_311 : f32 to vector<16xf32>
      %add3A_313 = arith.addf %add3A_312, %exp3A : vector<16xf32>
      %div3A = arith.constant 1.000000e+00 : f32
      %div3A_314 = vector.broadcast %div3A : f32 to vector<16xf32>
      %div3A_315 = arith.divf %div3A_314, %add3A_313 : vector<16xf32>
      %div3A_316 = arith.divf %exp3A, %add3A_313 : vector<16xf32>
      %swap3A = arith.constant 0 : i32
      %swap3A_317 = arith.index_cast %swap3A : i32 to index
      %swap3A_318 = arith.index_cast %add3A_11 : i32 to index
      %swap3A_319 = tpu.vector_load %arg6[%swap3A_317, %swap3A_318] {strides = array<i32>} : memref<2x512xf32, #tpu.memory_space<vmem>>, vector<1x16xf32>,
      %swap3A_320 = vector.shape_cast %swap3A_319 : vector<1x16xf32> to vector<16xf32>
      %swap3A_321 = vector.shape_cast %div3A_315 : vector<16xf32> to vector<1x16xf32>
      tpu.vector_store %arg6[%swap3A_317, %swap3A_318], %swap3A_321 {strides = array<i32>} : memref<2x512xf32, #tpu.memory_space<vmem>>, vector<1x16xf32>,
      %swap3A_322 = arith.constant 1 : i32
      %swap3A_323 = arith.index_cast %swap3A_322 : i32 to index
      %swap3A_324 = arith.index_cast %add3A_11 : i32 to index
      %swap3A_325 = tpu.vector_load %arg6[%swap3A_323, %swap3A_324] {strides = array<i32>} : memref<2x512xf32, #tpu.memory_space<vmem>>, vector<1x16xf32>,
      %swap3A_326 = vector.shape_cast %swap3A_325 : vector<1x16xf32> to vector<16xf32>
      %swap3A_327 = vector.shape_cast %div3A_316 : vector<16xf32> to vector<1x16xf32>
      tpu.vector_store %arg6[%swap3A_323, %swap3A_324], %swap3A_327 {strides = array<i32>} : memref<2x512xf32, #tpu.memory_space<vmem>>, vector<1x16xf32>,
      %swap3A_328 = arith.constant 0 : i32
      %swap3A_329 = arith.index_cast %swap3A_328 : i32 to index
      %swap3A_330 = arith.index_cast %add3A_11 : i32 to index
      %swap3A_331 = tpu.vector_load %arg7[%swap3A_329, %swap3A_330] {strides = array<i32>} : memref<2x512xi32, #tpu.memory_space<vmem>>, vector<1x16xi32>,
      %swap3A_332 = vector.shape_cast %swap3A_331 : vector<1x16xi32> to vector<16xi32>
      %swap3A_333 = vector.shape_cast %select_n3A_165 : vector<16xi32> to vector<1x16xi32>
      tpu.vector_store %arg7[%swap3A_329, %swap3A_330], %swap3A_333 {strides = array<i32>} : memref<2x512xi32, #tpu.memory_space<vmem>>, vector<1x16xi32>,
      %swap3A_334 = arith.constant 1 : i32
      %swap3A_335 = arith.index_cast %swap3A_334 : i32 to index
      %swap3A_336 = arith.index_cast %add3A_11 : i32 to index
      %swap3A_337 = tpu.vector_load %arg7[%swap3A_335, %swap3A_336] {strides = array<i32>} : memref<2x512xi32, #tpu.memory_space<vmem>>, vector<1x16xi32>,
      %swap3A_338 = vector.shape_cast %swap3A_337 : vector<1x16xi32> to vector<16xi32>
      %swap3A_339 = vector.shape_cast %select_n3A_310 : vector<16xi32> to vector<1x16xi32>
      tpu.vector_store %arg7[%swap3A_335, %swap3A_336], %swap3A_339 {strides = array<i32>} : memref<2x512xi32, #tpu.memory_space<vmem>>, vector<1x16xi32>,
    }
    %scan3A_6 = arith.constant 32 : i32
    "tpu.region"() ({
      %run_scoped3A = tpu.sem_alloc : memref<!tpu.dma_semaphore, #tpu.memory_space<semaphore_mem>>
      %dma_start3A = arith.constant 0 : i32
      %dma_start3A_7 = tpu.memref_slice %arg3[%dma_start3A, %mul3A_2] : memref<2x16384xf32, #tpu.memory_space<hbm>> -> memref<2x512xf32, #tpu.memory_space<hbm>>
      %dma_start3A_8 = arith.constant 0 : i32
      %dma_start3A_9 = tpu.memref_slice %arg3[%dma_start3A_8, %mul3A_2] : memref<2x16384xf32, #tpu.memory_space<hbm>> -> memref<2x512xf32, #tpu.memory_space<hbm>>
      tpu.enqueue_dma source(%arg6 : memref<2x512xf32, #tpu.memory_space<vmem>>) target(%dma_start3A_9 : memref<2x512xf32, #tpu.memory_space<hbm>>) target_semaphore(%run_scoped3A : memref<!tpu.dma_semaphore, #tpu.memory_space<semaphore_mem>>)
      %dma_wait3A = arith.constant 0 : i32
      %dma_wait3A_10 = tpu.memref_slice %arg3[%dma_wait3A, %mul3A_2] : memref<2x16384xf32, #tpu.memory_space<hbm>> -> memref<2x512xf32, #tpu.memory_space<hbm>>
      %dma_wait3A_11 = arith.constant 0 : i32
      %dma_wait3A_12 = tpu.memref_slice %arg3[%dma_wait3A_11, %mul3A_2] : memref<2x16384xf32, #tpu.memory_space<hbm>> -> memref<2x512xf32, #tpu.memory_space<hbm>>
      tpu.wait_dma2 semaphore(%run_scoped3A : memref<!tpu.dma_semaphore, #tpu.memory_space<semaphore_mem>>) src(%arg6 : memref<2x512xf32, #tpu.memory_space<vmem>>) dst(%dma_wait3A_12 : memref<2x512xf32, #tpu.memory_space<hbm>>)
      tpu.yield
    }) : () -> ()
    "tpu.region"() ({
      %run_scoped3A = tpu.sem_alloc : memref<!tpu.dma_semaphore, #tpu.memory_space<semaphore_mem>>
      %dma_start3A = arith.constant 0 : i32
      %dma_start3A_7 = tpu.memref_slice %arg4[%dma_start3A, %mul3A_2] : memref<2x16384xi32, #tpu.memory_space<hbm>> -> memref<2x512xi32, #tpu.memory_space<hbm>>
      %dma_start3A_8 = arith.constant 0 : i32
      %dma_start3A_9 = tpu.memref_slice %arg4[%dma_start3A_8, %mul3A_2] : memref<2x16384xi32, #tpu.memory_space<hbm>> -> memref<2x512xi32, #tpu.memory_space<hbm>>
      tpu.enqueue_dma source(%arg7 : memref<2x512xi32, #tpu.memory_space<vmem>>) target(%dma_start3A_9 : memref<2x512xi32, #tpu.memory_space<hbm>>) target_semaphore(%run_scoped3A : memref<!tpu.dma_semaphore, #tpu.memory_space<semaphore_mem>>)
      %dma_wait3A = arith.constant 0 : i32
      %dma_wait3A_10 = tpu.memref_slice %arg4[%dma_wait3A, %mul3A_2] : memref<2x16384xi32, #tpu.memory_space<hbm>> -> memref<2x512xi32, #tpu.memory_space<hbm>>
      %dma_wait3A_11 = arith.constant 0 : i32
      %dma_wait3A_12 = tpu.memref_slice %arg4[%dma_wait3A_11, %mul3A_2] : memref<2x16384xi32, #tpu.memory_space<hbm>> -> memref<2x512xi32, #tpu.memory_space<hbm>>
      tpu.wait_dma2 semaphore(%run_scoped3A : memref<!tpu.dma_semaphore, #tpu.memory_space<semaphore_mem>>) src(%arg7 : memref<2x512xi32, #tpu.memory_space<vmem>>) dst(%dma_wait3A_12 : memref<2x512xi32, #tpu.memory_space<hbm>>)
      tpu.yield
    }) : () -> ()
    return
  }
}

module attributes {stable_mosaic.version = 14 : i64} {
  func.func @_logits_kernel(%arg0: i32, %arg1: memref<1024x2048xf32, #tpu.memory_space<vmem>>, %arg2: memref<16x2048xf32, #tpu.memory_space<vmem>>, %arg3: memref<16x1024xf32, #tpu.memory_space<vmem>>, %arg4: memref<1x1xf32, #tpu.memory_space<smem>>, %arg5: memref<16x1xf32, #tpu.memory_space<vmem>>) attributes {dimension_semantics = [#tpu.dimension_semantics<arbitrary>], iteration_bounds = array<i64: 16>, scalar_prefetch = 0 : i64, scratch_operands = 1 : i64, tpu.core_type = #tpu.core_type<tc>, window_params = [{transform_indices = @transform_0, window_bounds = array<i64: 1024, 2048>}, {pipeline_mode = #tpu.pipeline_mode<synchronous>, transform_indices = @transform_1, window_bounds = array<i64: 16, 2048>}, {transform_indices = @transform_2, window_bounds = array<i64: 16, 1024>}, {transform_indices = @transform_3, window_bounds = array<i64: 1, 1>}]} {
    %eq3A = arith.constant 0 : i32
    %eq3A_0 = arith.cmpi eq, %arg0, %eq3A : i32
    %convert_element_type3A = arith.extui %eq3A_0 : i1 to i32
    %cond3A = arith.constant 0 : i32
    %cond3A_1 = arith.cmpi ne, %convert_element_type3A, %cond3A : i32
    scf.if %cond3A_1 {
      %broadcast_in_dim3A_29 = arith.constant 0.000000e+00 : f32
      %broadcast_in_dim3A_30 = vector.broadcast %broadcast_in_dim3A_29 : f32 to vector<16x1xf32>
      %swap3A_31 = arith.constant 0 : index
      %swap3A_32 = arith.constant 0 : index
      %swap3A_33 = vector.load %arg5[%swap3A_31, %swap3A_32] : memref<16x1xf32, #tpu.memory_space<vmem>>, vector<16x1xf32>
      tpu.vector_store %arg5[%swap3A_31, %swap3A_32], %broadcast_in_dim3A_30 {strides = array<i32>} : memref<16x1xf32, #tpu.memory_space<vmem>>, vector<16x1xf32>,
    } else {
    }
    %get3A = arith.constant 0 : index
    %get3A_2 = arith.constant 0 : index
    %get3A_3 = vector.load %arg2[%get3A, %get3A_2] : memref<16x2048xf32, #tpu.memory_space<vmem>>, vector<16x2048xf32>
    %get3A_4 = arith.constant 0 : index
    %get3A_5 = arith.constant 0 : index
    %get3A_6 = vector.load %arg1[%get3A_4, %get3A_5] : memref<1024x2048xf32, #tpu.memory_space<vmem>>, vector<1024x2048xf32>
    %dot_general3A = arith.constant dense<0.000000e+00> : vector<16x1024xf32>
    %dot_general3A_7 = tpu.matmul %get3A_3, %get3A_6, %dot_general3A {dimension_numbers = #tpu.dot_dimension_numbers<[1], [1], [0], [0], [0, 0, 1, 0], [], []>, transpose_lhs_hint = false} : vector<16x2048xf32>, vector<1024x2048xf32>, vector<16x1024xf32> -> vector<16x1024xf32>
    %swap3A = arith.constant 0 : index
    %swap3A_8 = arith.constant 0 : index
    %swap3A_9 = vector.load %arg3[%swap3A, %swap3A_8] : memref<16x1024xf32, #tpu.memory_space<vmem>>, vector<16x1024xf32>
    tpu.vector_store %arg3[%swap3A, %swap3A_8], %dot_general3A_7 {strides = array<i32>} : memref<16x1024xf32, #tpu.memory_space<vmem>>, vector<16x1024xf32>,
    %reduce_max3A = arith.constant dense<0xFF800000> : vector<1024xf32>
    %reduce_max3A_10 = vector.multi_reduction <maximumf>, %dot_general3A_7, %reduce_max3A [0] : vector<16x1024xf32> to vector<1024xf32>
    %broadcast_in_dim3A = vector.shape_cast %reduce_max3A_10 : vector<1024xf32> to vector<1x1024xf32>
    %sub3A = vector.broadcast %broadcast_in_dim3A : vector<1x1024xf32> to vector<16x1024xf32>
    %sub3A_11 = arith.subf %dot_general3A_7, %sub3A : vector<16x1024xf32>
    %exp3A = math.exp %sub3A_11 : vector<16x1024xf32>
    %reduce_sum3A = arith.constant dense<0.000000e+00> : vector<1024xf32>
    %reduce_sum3A_12 = vector.multi_reduction <add>, %exp3A, %reduce_sum3A [0] : vector<16x1024xf32> to vector<1024xf32>
    %broadcast_in_dim3A_13 = vector.shape_cast %reduce_sum3A_12 : vector<1024xf32> to vector<1x1024xf32>
    %div3A = vector.broadcast %broadcast_in_dim3A_13 : vector<1x1024xf32> to vector<16x1024xf32>
    %div3A_14 = arith.divf %exp3A, %div3A : vector<16x1024xf32>
    %get3A_15 = arith.constant 0 : index
    %get3A_16 = arith.constant 0 : index
    %get3A_17 = vector.load %arg5[%get3A_15, %get3A_16] : memref<16x1xf32, #tpu.memory_space<vmem>>, vector<16x1xf32>
    %reduce_sum3A_18 = arith.constant dense<0.000000e+00> : vector<16xf32>
    %reduce_sum3A_19 = vector.multi_reduction <add>, %div3A_14, %reduce_sum3A_18 [1] : vector<16x1024xf32> to vector<16xf32>
    %broadcast_in_dim3A_20 = vector.shape_cast %reduce_sum3A_19 : vector<16xf32> to vector<16x1xf32>
    %add3A = arith.addf %get3A_17, %broadcast_in_dim3A_20 : vector<16x1xf32>
    %swap3A_21 = arith.constant 0 : index
    %swap3A_22 = arith.constant 0 : index
    %swap3A_23 = vector.load %arg5[%swap3A_21, %swap3A_22] : memref<16x1xf32, #tpu.memory_space<vmem>>, vector<16x1xf32>
    tpu.vector_store %arg5[%swap3A_21, %swap3A_22], %add3A {strides = array<i32>} : memref<16x1xf32, #tpu.memory_space<vmem>>, vector<16x1xf32>,
    %eq3A_24 = arith.constant 15 : i32
    %eq3A_25 = arith.cmpi eq, %arg0, %eq3A_24 : i32
    %convert_element_type3A_26 = arith.extui %eq3A_25 : i1 to i32
    %cond3A_27 = arith.constant 0 : i32
    %cond3A_28 = arith.cmpi ne, %convert_element_type3A_26, %cond3A_27 : i32
    scf.if %cond3A_28 {
      %get3A_29 = arith.constant 0 : index
      %get3A_30 = arith.constant 0 : index
      %get3A_31 = vector.load %arg5[%get3A_29, %get3A_30] : memref<16x1xf32, #tpu.memory_space<vmem>>, vector<16x1xf32>
      %div3A_32 = arith.constant 1.638400e+04 : f32
      %div3A_33 = vector.broadcast %div3A_32 : f32 to vector<16x1xf32>
      %div3A_34 = arith.divf %get3A_31, %div3A_33 : vector<16x1xf32>
      %add3A_35 = arith.constant 9.99999993E-9 : f32
      %add3A_36 = vector.broadcast %add3A_35 : f32 to vector<16x1xf32>
      %add3A_37 = arith.addf %div3A_34, %add3A_36 : vector<16x1xf32>
      %log3A = math.log %add3A_37 : vector<16x1xf32>
      %mul3A = arith.mulf %div3A_34, %log3A : vector<16x1xf32>
      %reduce_sum3A_38 = vector.shape_cast %mul3A : vector<16x1xf32> to vector<1x16x1xf32>
      %reduce_sum3A_39 = arith.constant dense<0.000000e+00> : vector<1xf32>
      %reduce_sum3A_40 = vector.multi_reduction <add>, %reduce_sum3A_38, %reduce_sum3A_39 [1, 2] : vector<1x16x1xf32> to vector<1xf32>
      %reduce_sum3A_41 = vector.shape_cast %reduce_sum3A_40 : vector<1xf32> to vector<1x1x1xf32>
      %reduce_sum3A_42 = vector.extract %reduce_sum3A_41[0, 0, 0] : f32 from vector<1x1x1xf32>
      %mul3A_43 = arith.constant 0.00999999977 : f32
      %mul3A_44 = arith.mulf %mul3A_43, %reduce_sum3A_42 : f32
      %swap3A_45 = arith.constant 0 : index
      %swap3A_46 = arith.constant 0 : index
      %swap3A_47 = memref.load %arg4[%swap3A_45, %swap3A_46] : memref<1x1xf32, #tpu.memory_space<smem>>
      memref.store %mul3A_44, %arg4[%swap3A_45, %swap3A_46] : memref<1x1xf32, #tpu.memory_space<smem>>
    } else {
    }
    return
  }
  func.func @transform_0(%arg0: i32) -> (i32, i32) {
    %c0_i32 = arith.constant 0 : i32
    %c0_i32_0 = arith.constant 0 : i32
    return %arg0, %c0_i32 : i32, i32
  }
  func.func @transform_1(%arg0: i32) -> (i32, i32) {
    %c0_i32 = arith.constant 0 : i32
    %c0_i32_0 = arith.constant 0 : i32
    %c0_i32_1 = arith.constant 0 : i32
    return %c0_i32, %c0_i32_0 : i32, i32
  }
  func.func @transform_2(%arg0: i32) -> (i32, i32) {
    %c0_i32 = arith.constant 0 : i32
    %c0_i32_0 = arith.constant 0 : i32
    return %c0_i32, %arg0 : i32, i32
  }
  func.func @transform_3(%arg0: i32) -> (i32, i32) {
    %c0_i32 = arith.constant 0 : i32
    %c0_i32_0 = arith.constant 0 : i32
    %c0_i32_1 = arith.constant 0 : i32
    return %c0_i32, %c0_i32_0 : i32, i32
  }
}

</mosaic_0001>

<sc_bundles>
// kernel: kernel.4.cloned.1.call-start
scs
__scs_entry_jumppad:
0x0: {  	(pc) =	sbr.rel $0x88, $3  }
0x1: {  	(tag) =	ssettag $0x0;
	lr =	simm.s32 $0x1  }
0x2: {  	[smem:$0x3F9F] =	sst lr;
	_ =	strace $0xD0000000  }
0x3: {  	_ = 	snop  }
0x4: {  	_ = 	snop  }
0x5: {  	_ = 	snop  }
0x6: {  	_ = 	snop  }
0x7: {  	_ = 	snop  }
__scs_overlays_trampoline_lowered:
0x8: {  	[smem:$0x3FAE] =	sst s0  }
0x9: {  	[smem:$0x3FAF] =	sst s1  }
0xa: {  	[smem:$0x3FB0] =	sst s2  }
0xb: {  	[smem:$0x3FB1] =	sst s3  }
0xc: {  	[smem:$0x3FB2] =	sst s4  }
0xd: {  	[smem:$0x3FB3] =	sst s5  }
0xe: {  	[smem:$0x3FB4] =	sst s6  }
0xf: {  	[smem:$0x3FB5] =	sst s7  }
0x10: {  	[smem:$0x3FB6] =	sst s8  }
0x11: {  	[smem:$0x3FB7] =	sst s9;
	s0 =	simm.s32 @!p0 $0x0  }
0x12: {  	s1 =	sld [smem:$0x3F9D];
	s0 =	simm.s32 @p0 $0x1  }
0x13: {  	[smem:$0x3FB8] =	sst s0;
	s0 =	simm.s32 @!p1 $0x0  }
0x14: {  	s2 =	sld [smem:$0x3F9C];
	s0 =	simm.s32 @p1 $0x1  }
0x15: {  	[smem:$0x3FB9] =	sst s0;
	s0 =	simm.s32 @!p2 $0x0  }
0x16: {  	s3 =	sld [smem:$0x3FDB];
	s0 =	simm.s32 @p2 $0x1  }
0x17: {  	s4 =	simm.s32 $0x1BF5;
	[smem:$0x3FBB] =	sst s0  }
0x18: {  	s0 =	sld [smem:$0x3F9E];
	_ =	swait.ge [sflag:s4], $0x0  }
0x19: {  	s7 =	sld [smem:$0x3F9F]  }
0x1a: {  	s8 =	sadd.s32 $0xFFFFE003, lr  }
0x1b: {  	s9 =	sadd.s32 $0xFFFFFEF7, lr;
	s5 =	simm.s32 $0xFFFFFFFF;
	p2 =	slt.u32 s8, $0xFFFFF086  }
0x1c: {  	p1 =	slt.u32 s9, $0xF7A;
	s5 =	simm.s32 @!p2 $0x0  }
0x1d: {  	s5 =	simm.s32 @p1 $0x1;
	p0 =	seq.s32 s7, s2  }
0x1e: {  	s7 =	smul.u32 @!p0 $0xF7A, s2;
	p2 =	seq.s32 @!p0 s5, $0x0  }
0x1f: {  	s9 =	smul.u32 $0xF7A, s1;
	s8 =	simm.s32 @!p0 $0x1BF5;
	p2 =	por !p2, p0  }
0x20: {  	[sflag:s8] =	ssyncset.s32 @!p0 $0xFFFFF086;
	s6 =	sadd.s32 @!p0 s3, s7;
	s7 =	simm.s32 @!p0 $0x108  }
0x21: {  	s3 =	sadd.s32 s3, s9;
	s6 =	sadd.s32 @!p0 $0x88, s6;
	s7 =	simm.s32 @p2 $0x1082  }
0x22: {  	[simem:s7], [sflag:s8] =	dma.local @!p0 [hbm:s6], $0xF7A  }
0x23: {  	s9 =	sor.u32 $0xD0000000, s2;
	s6 =	simm.s32 $0x108;
	_ =	swait.ge @!p0 [sflag:s8], $0x0  }
0x24: {  	s3 =	sadd.s32 $0x88, s3;
	s6 =	simm.s32 @!p1 $0x1082;
	[sflag:s4] =	ssyncset.s32 $0xFFFFF086  }
0x25: {  	[simem:s6], [sflag:s4] =	dma.local [hbm:s3], $0xF7A  }
0x26: {  	[smem:$0x3F9F] =	sst s1;
	(tag) =	ssettag s2;
	_ =	strace s9  }
0x27: {  	s1 =	sld [smem:$0x3FAF]  }
0x28: {  	s2 =	sld [smem:$0x3FB0]  }
0x29: {  	s4 =	sld [smem:$0x3FB2]  }
0x2a: {  	p0 =	seq.s32 s5, $0x0;
	s5 =	sld [smem:$0x3FB3]  }
0x2b: {  	s6 =	sld [smem:$0x3FB4]  }
0x2c: {  	s7 =	sld [smem:$0x3FB5]  }
0x2d: {  	s3 =	simm.s32 $0x108;
	s8 =	sld [smem:$0x3FB6]  }
0x2e: {  	s3 =	simm.s32 @!p0 $0x1082;
	s9 =	sld [smem:$0x3FB7]  }
0x2f: {  	lr =	sadd.s32 s0, s3;
	s0 =	sld [smem:$0x3FAE]  }
0x30: {  	s3 =	sld [smem:$0x3FB1]  }
0x31: {  	[smem:$0x3FBA] =	sst s10  }
0x32: {  	s10 =	sld [smem:$0x3FB8];
	_ =	sdelay $0x3  }
0x33: {  	p0 =	seq.s32 s10, $0x1;
	s10 =	sld [smem:$0x3FBA];
	_ =	sdelay $0x3  }
0x34: {  	[smem:$0x3FBA] =	sst s10  }
0x35: {  	s10 =	sld [smem:$0x3FB9];
	_ =	sdelay $0x3  }
0x36: {  	p1 =	seq.s32 s10, $0x1;
	s10 =	sld [smem:$0x3FBA];
	_ =	sdelay $0x3  }
0x37: {  	[smem:$0x3FBA] =	sst s10  }
0x38: {  	s10 =	sld [smem:$0x3FBB]  }
0x39: {  	_ = 	snop;
	(pc) =	sbr.ind lr, $3  }
0x3a: {  	_ = 	snop  }
0x3b: {  	_ = 	snop  }
0x3c: {  	p2 =	seq.s32 s10, $0x1;
	s10 =	sld [smem:$0x3FBA]  }
0x3d: {  	_ =	shalt  }
0x3e: {  	_ =	shalt  }
0x3f: {  	_ =	shalt  }
0x40: {  	_ =	shalt  }
0x41: {  	_ =	shalt  }
0x42: {  	_ =	shalt  }
0x43: {  	_ =	shalt  }
0x44: {  	_ =	shalt  }
0x45: {  	_ =	shalt  }
0x46: {  	_ =	shalt  }
0x47: {  	_ =	shalt  }
0x48: {  	_ =	shalt  }
0x49: {  	_ =	shalt  }
0x4a: {  	_ =	shalt  }
0x4b: {  	_ =	shalt  }
0x4c: {  	_ =	shalt  }
0x4d: {  	_ =	shalt  }
0x4e: {  	_ =	shalt  }
0x4f: {  	_ =	shalt  }
0x50: {  	_ =	shalt  }
0x51: {  	_ =	shalt  }
0x52: {  	_ =	shalt  }
0x53: {  	_ =	shalt  }
0x54: {  	_ =	shalt  }
0x55: {  	_ =	shalt  }
0x56: {  	_ =	shalt  }
0x57: {  	_ =	shalt  }
0x58: {  	_ =	shalt  }
0x59: {  	_ =	shalt  }
0x5a: {  	_ =	shalt  }
0x5b: {  	_ =	shalt  }
0x5c: {  	_ =	shalt  }
0x5d: {  	_ =	shalt  }
0x5e: {  	_ =	shalt  }
0x5f: {  	_ =	shalt  }
0x60: {  	_ =	shalt  }
0x61: {  	_ =	shalt  }
0x62: {  	_ =	shalt  }
0x63: {  	_ =	shalt  }
0x64: {  	_ =	shalt  }
0x65: {  	_ =	shalt  }
0x66: {  	_ =	shalt  }
0x67: {  	_ =	shalt  }
0x68: {  	_ =	shalt  }
0x69: {  	_ =	shalt  }
0x6a: {  	_ =	shalt  }
0x6b: {  	_ =	shalt  }
0x6c: {  	_ =	shalt  }
0x6d: {  	_ =	shalt  }
0x6e: {  	_ =	shalt  }
0x6f: {  	_ =	shalt  }
0x70: {  	_ =	shalt  }
0x71: {  	_ =	shalt  }
0x72: {  	_ =	shalt  }
0x73: {  	_ =	shalt  }
0x74: {  	_ =	shalt  }
0x75: {  	_ =	shalt  }
0x76: {  	_ =	shalt  }
0x77: {  	_ =	shalt  }
0x78: {  	_ =	shalt  }
0x79: {  	_ =	shalt  }
0x7a: {  	_ =	shalt  }
0x7b: {  	_ =	shalt  }
0x7c: {  	_ =	shalt  }
0x7d: {  	_ =	shalt  }
0x7e: {  	_ =	shalt  }
0x7f: {  	_ =	shalt  }
0x80: {  	_ =	shalt  }
0x81: {  	_ =	shalt  }
0x82: {  	_ =	shalt  }
0x83: {  	_ =	shalt  }
0x84: {  	_ =	shalt  }
0x85: {  	_ =	shalt  }
0x86: {  	_ =	shalt  }
0x87: {  	_ =	shalt  }
.Lfunc_end0:
.L_simem_size_0:
called_computation_lowered:
.L_overlay_start_0:
0x88: {  	s2 =	sld [smem:$0x3FD9]  }
0x89: {  	s3 =	sld [smem:$0x3FFE];
	_ =	sdelay $0x1  }
0x8a: {  	s1 =	srdreg.scid  }
0x8b: {  	s0 =	sand.u32 $0x1, s1  }
0x8c: {  	s14 =	sshll.u32 s0, $0xA;
	s2 =	sadd.s32 s3, s2  }
0x8d: {  	s2 =	sadd.s32 s2, s14  }
0x8e: {  	[smem:$0x3FC6] =	sst s2  }
0x8f: {  	_ = 	snop  }
0x90: {  	s2 =	sld [smem:$0x3FD0];
	_ =	sdelay $0x2  }
0x91: {  	s15 =	simm.s32 $0xA;
	s4 =	simm.s32 $0x10  }
0x92: {  	[smem:s4], [sflag:s15] =	dma.local [hbm:s2], $0x1  }
0x93: {  	_ =	swait.eq [sflag:s15], $0x1  }
0x94: {  	[sflag:s15] =	ssyncset.done $0x0  }
0x95: {  	s16 =	sld [smem:$0x10];
	[sflag:s15] =	ssyncadd.s32 $0xFFFFFFFF  }
0x96: {  	s17 =	sld [smem:$0x11];
	(tm) =	ssettm $0x1  }
0x97: {  	s18 =	sld [smem:$0x3FFB];
	_ =	sdelay $0x3  }
0x98: {  	_ =	strace s18  }
0x99: {  	s4 =	sld [smem:$0x3FFC];
	_ =	sdelay $0x3  }
0x9a: {  	_ =	strace s4  }
0x9b: {  	s4 =	sld [smem:$0x3FFD];
	_ =	sdelay $0x3  }
0x9c: {  	_ =	strace s4  }
0x9d: {  	_ =	strace $0x8FFFFFFF  }
0x9e: {  	s19 =	sld [smem:$0x3FDB];
	_ =	sdelay $0x1  }
0x9f: {  	s5 =	simm.s32 $_scs_section_size  }
0xa0: {  	s6 =	simm.s32 $_size__tile_overlayer_lowered;
	s7 =	simm.s32 $_tile_overlayer_lowered  }
0xa1: {  	s22 =	simm.s32 $0x1BFF;
	s21 =	sshll.u32 s7, $0x1;
	s4 =	sadd.s32 s5, s19  }
0xa2: {  	s8 =	simm.s32 $0x0;
	s20 =	sshll.u32 s6, $0x1;
	s6 =	sadd.s32 s21, s4  }
0xa3: {  	[timem:s8], [sflag:s22] =	dma.local [hbm:s6], s20  }
0xa4: {  	_ =	swait.ge [sflag:s22], s20  }
0xa5: {  	s5 =	ssub.s32 $0x0, s20;
	[sflag:s22] =	ssyncset.done $0x0  }
0xa6: {  	[sflag:s22] =	ssyncadd.s32 s5;
	_ =	sdelay $0x1  }
0xa7: {  	s23 =	simm.s32 $0x1B8B  }
0xa8: {  	_ =	swait.ge [sflag:s23], $0x1  }
0xa9: {  	[sflag:s23] =	ssyncset.done $0x0  }
0xaa: {  	s25 =	simm.s32 $0x1B8E;
	s24 =	sld [smem:$0x3FFE];
	[sflag:s23] =	ssyncadd.s32 $0xFFFFFFFF  }
0xab: {  	s26 =	simm.s32 $execute0_lowered;
	[smem:$0x3FD2] =	sst s25  }
0xac: {  	s6 =	sshll.u32 s26, $0x1;
	_ =	strace $0x80000046;
	[dreg:$0x1] =	wrdreg $0xFFFFFFFF  }
0xad: {  	s28 =	simm.s32 $_size_execute0_lowered;
	s4 =	sadd.s32 s4, s6;
	[dreg:$0x0] =	wrdreg $0x0  }
0xae: {  	s6 =	sshll.u32 s28, $0x1;
	[dreg:$0x2] =	wrdreg s4  }
0xaf: {  	[dreg:$0x3] =	wrdreg s6  }
0xb0: {  	[dreg:$0x4] =	wrdreg $0xC0  }
0xb1: {  	_ =	task [dreg:s8], $0x5FFFF  }
0xb2: {  	[dreg:$0x1] =	wrdreg $0xFFFFFFFF  }
0xb3: {  	[dreg:$0x0] =	wrdreg $0x60  }
0xb4: {  	[dreg:$0x2] =	wrdreg s24  }
0xb5: {  	[dreg:$0x3] =	wrdreg s16  }
0xb6: {  	[dreg:$0x4] =	wrdreg s17  }
0xb7: {  	[dreg:$0x5] =	wrdreg $0x9  }
0xb8: {  	_ =	task.clear_ibuf [dreg:s8], $0x6FFFF;
	_ =	strace $0x90000046  }
0xb9: {  	s29 =	simm.s32 $0x9;
	_ =	strace $0x80000048  }
0xba: {  	_ =	swait.ge [sflag:s29], $0x1  }
0xbb: {  	[sflag:s29] =	ssyncadd.s32 $0xFFFFFFFF  }
0xbc: {  	_ =	strace $0x90000048  }
0xbd: {  	_ =	sfence  }
0xbe: {  	s30 =	sld [smem:$0x0];
	_ =	sdelay $0x2  }
0xbf: {  	s31 =	sshll.u32 s1, $0xD;
	s1 =	sshrl.u32 s1, $0x2  }
0xc0: {  	s3 =	sand.u32 $0x4000, s31;
	s1 =	sadd.s32 s1, s30  }
0xc1: {  	s0 =	sor.u32 s3, s0;
	s1 =	sshll.u32 s1, $0x11  }
0xc2: {  	s0 =	sor.u32 s1, s0  }
0xc3: {  	s0 =	sadd.s32 $0x8F2B, s0  }
0xc4: {  	[sflag:s0] =	ssyncadd.remote.s32 $0x1  }
0xc5: {  	_ =	sfence.sel $0xFFFF  }
0xc6: {  	[dreg:$0x0] =	wrdreg $0xFFFFFFFF;
	(pc) =	sbr.abs _section_cstart, $3  }
0xc7: {  	[dreg:$0x1] =	wrdreg $0xFFFFFFFF  }
0xc8: {  	_ =	task.clear_ibuf [dreg:s8], $0x2FFFF;
	_ =	strace $0x9FFFFFFF  }
0xc9: {  	(tm) =	ssettm $0x7FFFFFFF  }
tec
execute0_lowered:
.L_overlay_start_1:
0x0: {  	(tag) =	ssettag $0x1  }
0x1: {  	s3 =	rddreg [dreg:$0x0]  }
0x2: {  	s4 =	rddreg [dreg:$0x1]  }
0x3: {  	s5 =	rddreg [dreg:$0x2];
	s2 =	srdreg.scid  }
0x4: {  	s0 =	rddreg [dreg:$0x3];
	s1 =	stileid.u32;
	s9 =	simm.s32 $0x1  }
0x5: {  	s10 =	simm.s32 $0x2000;
	s11 =	simm.s32 $0x2400;
	s12 =	simm.s32 $0x0  }
0x6: {  	s6 =	sand.u32 $0x1, s2;
	s2 =	simm.s32 $0x0;
	s7 =	sshll.u32 s1, $0xA  }
0x7: {  	s8 =	sshll.u32 s6, $0x9;
	[smem:$0x7FF] =	sst s2;
	s6 =	ssub.s32 $0x2, s6  }
0x8: {  	s7 =	sor.u32 s8, s7;
	_ =	strace $0x80000047;
	s31 =	sshrl.u32 s6, $0x1  }
0x9: {  	s8 =	simm.s32 $0x20000;
	s3 =	sadd.s32 s7, s3;
	s7 =	sshrl.u32 s7, $0x2  }
0xa: {  	s6 =	ssub.s32 s6, s31;
	s3 =	sadd.s32 $0xE00, s3;
	s4 =	sadd.s32 s4, s7  }
0xb: {  	v0 =	vimm.s32 $0x0;
	s5 =	sadd.s32 s5, s7;
	s6 =	smax.u32 s6, $0x1;
	s7 =	simm.s32 $0x1000  }
.LBB2_1:
0xc: {  	[tilespmem:s2], [sflag:$0x1] =	stream.strided.gather [hbm4b:s3+s7], $0x2000, s8, s7, $0x38;
	[tilespmem:$0x2800] =	vst v63  }
0xd: {  	s14 =	simm.s32 $0x0;
	_ =	swait.ge [sflag:s9], $0x2000  }
0xe: {  	s13 =	sand.u32 $0x70, s2;
	s14 =	sand.u32 $0x3FFFFC00, s14;
	[sflag:s9] =	ssyncset.done $0x0  }
0xf: {  	s14 =	sor.u32 s13, s14;
	[sflag:s9] =	ssyncadd.s32 $0xFFFFE000  }
0x10: {  	v1 =	vld [tilespmem:s14+$0x0]  }
0x11: {  	v2 =	vld [tilespmem:s14+$0x80];
	_ =	sdelay $0x1  }
0x12: {  	v3 =	vld [tilespmem:s14+$0x100];
	_ =	sdelay $0x1  }
0x13: {  	v4 =	vld [tilespmem:s14+$0x180]  }
0x14: {  	vm0 =	vgt.f32 v2, v1  }
0x15: {  	v5 =	vld [tilespmem:s14+$0x200];
	v6 =	vsel vm0, v2, v1  }
0x16: {  	vm1 =	vgt.f32 v3, v6  }
0x17: {  	v7 =	vld [tilespmem:s14+$0x280];
	v6 =	vsel vm1, v3, v6  }
0x18: {  	vm2 =	vgt.f32 v4, v6  }
0x19: {  	v8 =	vld [tilespmem:s14+$0x300];
	v6 =	vsel vm2, v4, v6  }
0x1a: {  	vm3 =	vgt.f32 v5, v6  }
0x1b: {  	v9 =	vld [tilespmem:s14+$0x380];
	v6 =	vsel vm3, v5, v6  }
0x1c: {  	vm4 =	vgt.f32 v7, v6  }
0x1d: {  	v10 =	vld [tilespmem:s14+$0x1000];
	v6 =	vsel vm4, v7, v6  }
0x1e: {  	vm5 =	vgt.f32 v8, v6  }
0x1f: {  	v11 =	vld [tilespmem:s14+$0x1080];
	v6 =	vsel vm5, v8, v6  }
0x20: {  	vm6 =	vgt.f32 v9, v6  }
0x21: {  	v12 =	vld [tilespmem:s14+$0x1100];
	v6 =	vsel vm6, v9, v6  }
0x22: {  	vm7 =	vgt.f32 v10, v6  }
0x23: {  	v13 =	vld [tilespmem:s14+$0x1180];
	v14 =	vsel vm0, $0x1, v0;
	v6 =	vsel vm7, v10, v6  }
0x24: {  	v14 =	vsel vm1, $0x2, v14;
	vm12 =	vgt.f32 v11, v6  }
0x25: {  	v15 =	vld [tilespmem:s14+$0x1200];
	v14 =	vsel vm2, $0x3, v14;
	v6 =	vsel vm12, v11, v6  }
0x26: {  	v14 =	vsel vm3, $0x4, v14;
	vm13 =	vgt.f32 v12, v6  }
0x27: {  	v16 =	vld [tilespmem:s14+$0x1280];
	v14 =	vsel vm4, $0x5, v14;
	v6 =	vsel vm13, v12, v6  }
0x28: {  	v14 =	vsel vm5, $0x6, v14;
	vm14 =	vgt.f32 v13, v6  }
0x29: {  	v17 =	vld [tilespmem:s14+$0x1300];
	v14 =	vsel vm6, $0x7, v14;
	v6 =	vsel vm14, v13, v6  }
0x2a: {  	v14 =	vsel vm7, $0x8, v14;
	vm15 =	vgt.f32 v15, v6  }
0x2b: {  	v18 =	vld [tilespmem:s14+$0x1380];
	v14 =	vsel vm12, $0x9, v14;
	v6 =	vsel vm15, v15, v6  }
0x2c: {  	v14 =	vsel vm13, $0xA, v14;
	vm5 =	vgt.f32 v16, v6  }
0x2d: {  	v14 =	vsel vm14, $0xB, v14;
	v6 =	vsel vm5, v16, v6  }
0x2e: {  	v14 =	vsel vm15, $0xC, v14;
	vm6 =	vgt.f32 v17, v6  }
0x2f: {  	v14 =	vsel vm5, $0xD, v14;
	v6 =	vsel vm6, v17, v6  }
0x30: {  	v14 =	vsel vm6, $0xE, v14;
	vm0 =	vgt.f32 v18, v6  }
0x31: {  	v14 =	vsel vm0, $0xF, v14  }
0x32: {  	vm7 =	veq.s32 v14, $0x0  }
0x33: {  	v1 =	vsel vm7, $0xFF800000, v1  }
0x34: {  	vm8 =	veq.s32 v14, $0x1;
	vm9 =	vgt.f32 v1, $-Inf  }
0x35: {  	v2 =	vsel vm8, $0xFF800000, v2;
	v1 =	vnsel vm9, $0xFF800000, v1  }
0x36: {  	vm10 =	veq.s32 v14, $0x2;
	vm1 =	vgt.f32 v2, v1  }
0x37: {  	v3 =	vsel vm10, $0xFF800000, v3;
	v1 =	vsel vm1, v2, v1  }
0x38: {  	vm11 =	veq.s32 v14, $0x3;
	vm2 =	vgt.f32 v3, v1  }
0x39: {  	v2 =	vsel vm11, $0xFF800000, v4;
	v1 =	vsel vm2, v3, v1  }
0x3a: {  	vm12 =	veq.s32 v14, $0x4;
	vm3 =	vgt.f32 v2, v1  }
0x3b: {  	v3 =	vsel vm12, $0xFF800000, v5;
	v1 =	vsel vm3, v2, v1  }
0x3c: {  	vm13 =	veq.s32 v14, $0x5;
	vm4 =	vgt.f32 v3, v1  }
0x3d: {  	v2 =	vsel vm13, $0xFF800000, v7;
	v1 =	vsel vm4, v3, v1  }
0x3e: {  	vm14 =	veq.s32 v14, $0x6;
	vm5 =	vgt.f32 v2, v1  }
0x3f: {  	v3 =	vsel vm14, $0xFF800000, v8;
	v1 =	vsel vm5, v2, v1  }
0x40: {  	vm15 =	veq.s32 v14, $0x7;
	vm6 =	vgt.f32 v3, v1  }
0x41: {  	v2 =	vsel vm15, $0xFF800000, v9;
	v1 =	vsel vm6, v3, v1  }
0x42: {  	vm8 =	veq.s32 v14, $0x8;
	vm7 =	vgt.f32 v2, v1  }
0x43: {  	v3 =	vsel vm8, $0xFF800000, v10;
	v1 =	vsel vm7, v2, v1  }
0x44: {  	vm9 =	veq.s32 v14, $0x9;
	vm8 =	vgt.f32 v3, v1  }
0x45: {  	v2 =	vsel vm9, $0xFF800000, v11;
	v1 =	vsel vm8, v3, v1  }
0x46: {  	vm10 =	veq.s32 v14, $0xA;
	vm9 =	vgt.f32 v2, v1  }
0x47: {  	v3 =	vsel vm10, $0xFF800000, v12;
	v1 =	vsel vm9, v2, v1  }
0x48: {  	vm11 =	veq.s32 v14, $0xB;
	vm10 =	vgt.f32 v3, v1  }
0x49: {  	v2 =	vsel vm11, $0xFF800000, v13;
	v1 =	vsel vm10, v3, v1  }
0x4a: {  	vm12 =	veq.s32 v14, $0xC;
	vm11 =	vgt.f32 v2, v1  }
0x4b: {  	v3 =	vsel vm12, $0xFF800000, v15;
	v1 =	vsel vm11, v2, v1  }
0x4c: {  	vm12 =	veq.s32 v14, $0xD;
	vm13 =	vgt.f32 v3, v1  }
0x4d: {  	v2 =	vsel vm12, $0xFF800000, v16;
	v1 =	vsel vm13, v3, v1  }
0x4e: {  	vm12 =	veq.s32 v14, $0xE;
	vm14 =	vgt.f32 v2, v1  }
0x4f: {  	v3 =	vsel vm12, $0xFF800000, v17;
	v1 =	vsel vm14, v2, v1  }
0x50: {  	vm12 =	veq.s32 v14, $0xF;
	vm15 =	vgt.f32 v3, v1  }
0x51: {  	v2 =	vsel vm12, $0xFF800000, v18;
	v1 =	vsel vm15, v3, v1  }
0x52: {  	vm12 =	vgt.f32 v2, v1  }
0x53: {  	v3 =	vsel vm0, v18, v6;
	v1 =	vsel vm12, v2, v1  }
0x54: {  	v1 =	vsub.f32 v1, v3;
	_ =	sdelay $0x1  }
0x55: {  	v1 =	vmul.f32 $1.442695020e+00, v1;
	_ =	sdelay $0x1  }
0x56: {  	(erf) = vpow2.f32 v1;
	_ =	sdelay $0x5  }
0x57: {  	v1 =	vsel vm1, $0x1, v0  }
0x58: {  	v1 =	vsel vm2, $0x2, v1  }
0x59: {  	v1 =	vsel vm3, $0x3, v1  }
0x5a: {  	v1 =	vsel vm4, $0x4, v1;
	v2 =	vpop (erf)  }
0x5b: {  	v1 =	vsel vm5, $0x5, v1;
	v3 =	vadd.f32 $1.000000000e+00, v2  }
0x5c: {  	v1 =	vsel vm6, $0x6, v1  }
0x5d: {  	v1 =	vsel vm7, $0x7, v1;
	(erf) = vrcp.f32 v3  }
0x5e: {  	v1 =	vsel vm8, $0x8, v1  }
0x5f: {  	v1 =	vsel vm9, $0x9, v1  }
0x60: {  	v1 =	vsel vm10, $0xA, v1  }
0x61: {  	v1 =	vsel vm11, $0xB, v1  }
0x62: {  	s30 =	simm.s32 $0x0;
	v1 =	vsel vm13, $0xC, v1  }
0x63: {  	s14 =	sand.u32 $0xFFFFFF00, s30;
	v1 =	vsel vm14, $0xD, v1  }
0x64: {  	s17 =	sor.u32 s13, s14;
	v1 =	vsel vm15, $0xE, v1  }
0x65: {  	[tilespmem:s17+$0x2400] =	vst v14;
	v1 =	vsel vm12, $0xF, v1  }
0x66: {  	s31 =	simm.s32 $0x10;
	s20 =	simm.s32 $0x2;
	s19 =	simm.s32 $0x80;
	[tilespmem:s17+$0x2480] =	vst v1;
	v3 =	vpop (erf)  }
0x67: {  	s15 =	simm.s32 $0x20;
	s14 =	simm.s32 $0x1;
	s13 =	sand.u32 $0x70, s31;
	v1 =	vmul.f32 v3, v2;
	[tilespmem:s17+$0x2000] =	vst v3  }
.LBB2_2:
0x68: {  	s18 =	sand.u32 $0x70, s15  }
0x69: {  	s21 =	sand.u32 $0x3FFFFC00, s19;
	s19 =	smov.u32 s20;
	s16 =	sadd.s32 $0x1, s20  }
0x6a: {  	p0 =	sne.s32 s20, $0x1F;
	s20 =	sor.u32 s13, s21;
	[tilespmem:s17+$0x2080] =	vst v1  }
0x6b: {  	v12 =	vld [tilespmem:s20+$0x0]  }
0x6c: {  	v13 =	vld [tilespmem:s20+$0x80]  }
0x6d: {  	v14 =	vld [tilespmem:s20+$0x100];
	_ =	sdelay $0x1  }
0x6e: {  	v15 =	vld [tilespmem:s20+$0x180];
	_ =	sdelay $0x1  }
0x6f: {  	v16 =	vld [tilespmem:s20+$0x200];
	vm0 =	vgt.f32 v13, v12  }
0x70: {  	v1 =	vsel vm0, v13, v12  }
0x71: {  	v11 =	vld [tilespmem:s20+$0x280];
	vm1 =	vgt.f32 v14, v1  }
0x72: {  	v1 =	vsel vm1, v14, v1  }
0x73: {  	v7 =	vld [tilespmem:s20+$0x300];
	vm2 =	vgt.f32 v15, v1  }
0x74: {  	v1 =	vsel vm2, v15, v1  }
0x75: {  	v6 =	vld [tilespmem:s20+$0x380];
	vm3 =	vgt.f32 v16, v1  }
0x76: {  	v1 =	vsel vm3, v16, v1  }
0x77: {  	v4 =	vld [tilespmem:s20+$0x1000];
	vm4 =	vgt.f32 v11, v1  }
0x78: {  	v1 =	vsel vm4, v11, v1  }
0x79: {  	v3 =	vld [tilespmem:s20+$0x1080];
	vm5 =	vgt.f32 v7, v1  }
0x7a: {  	v2 =	vsel vm5, v7, v1  }
0x7b: {  	v1 =	vld [tilespmem:s20+$0x1100];
	vm6 =	vgt.f32 v6, v2  }
0x7c: {  	v5 =	vsel vm6, v6, v2  }
0x7d: {  	v8 =	vsel vm0, $0x1, v0;
	v2 =	vld [tilespmem:s20+$0x1180];
	vm0 =	vgt.f32 v4, v5  }
0x7e: {  	v8 =	vsel vm1, $0x2, v8;
	v9 =	vsel vm0, v4, v5  }
0x7f: {  	v8 =	vsel vm2, $0x3, v8;
	v5 =	vld [tilespmem:s20+$0x1200];
	vm1 =	vgt.f32 v3, v9  }
0x80: {  	v10 =	vsel vm3, $0x4, v8;
	v9 =	vsel vm1, v3, v9  }
0x81: {  	v10 =	vsel vm4, $0x5, v10;
	v8 =	vld [tilespmem:s20+$0x1280];
	vm2 =	vgt.f32 v1, v9  }
0x82: {  	v10 =	vsel vm5, $0x6, v10;
	v17 =	vsel vm2, v1, v9  }
0x83: {  	v10 =	vsel vm6, $0x7, v10;
	v9 =	vld [tilespmem:s20+$0x1300];
	vm3 =	vgt.f32 v2, v17  }
0x84: {  	v18 =	vsel vm0, $0x8, v10;
	v17 =	vsel vm3, v2, v17  }
0x85: {  	v18 =	vsel vm1, $0x9, v18;
	v10 =	vld [tilespmem:s20+$0x1380];
	vm0 =	vgt.f32 v5, v17  }
0x86: {  	v18 =	vsel vm2, $0xA, v18;
	v17 =	vsel vm0, v5, v17  }
0x87: {  	v18 =	vsel vm3, $0xB, v18;
	vm1 =	vgt.f32 v8, v17  }
0x88: {  	v18 =	vsel vm0, $0xC, v18;
	v17 =	vsel vm1, v8, v17  }
0x89: {  	v18 =	vsel vm1, $0xD, v18;
	vm0 =	vgt.f32 v9, v17  }
0x8a: {  	s17 =	sshll.u32 s14, $0x5;
	s14 =	smov.u32 s19;
	v17 =	vsel vm0, v9, v17;
	v18 =	vsel vm0, $0xE, v18  }
0x8b: {  	s17 =	sand.u32 $0xFFFFFF00, s17;
	vm0 =	vgt.f32 v10, v17  }
0x8c: {  	s17 =	sor.u32 s13, s17;
	s13 =	smov.u32 s18;
	v17 =	vsel vm0, v10, v17;
	v18 =	vsel vm0, $0xF, v18  }
0x8d: {  	vm0 =	veq.s32 v18, $0x0;
	vm1 =	veq.s32 v18, $0x1;
	vm2 =	veq.s32 v18, $0x2;
	[tilespmem:s17+$0x2400] =	vst v18  }
0x8e: {  	vm10 =	veq.s32 v18, $0x4;
	v12 =	vsel vm0, $0xFF800000, v12;
	vm0 =	veq.s32 v18, $0x3  }
0x8f: {  	vm11 =	veq.s32 v18, $0x5;
	v13 =	vsel vm1, $0xFF800000, v13;
	vm3 =	vgt.f32 v12, $-Inf  }
0x90: {  	vm9 =	veq.s32 v18, $0x6;
	vm8 =	veq.s32 v18, $0x7;
	v12 =	vnsel vm3, $0xFF800000, v12  }
0x91: {  	vm7 =	veq.s32 v18, $0x8;
	v14 =	vsel vm2, $0xFF800000, v14;
	vm12 =	vgt.f32 v13, v12  }
0x92: {  	vm6 =	veq.s32 v18, $0x9;
	vm5 =	veq.s32 v18, $0xA;
	v12 =	vsel vm12, v13, v12  }
0x93: {  	vm4 =	veq.s32 v18, $0xB;
	v13 =	vsel vm0, $0xFF800000, v15;
	vm13 =	vgt.f32 v14, v12  }
0x94: {  	vm2 =	veq.s32 v18, $0xD;
	vm3 =	veq.s32 v18, $0xC;
	v12 =	vsel vm13, v14, v12  }
0x95: {  	vm1 =	veq.s32 v18, $0xE;
	v14 =	vsel vm10, $0xFF800000, v16;
	vm14 =	vgt.f32 v13, v12  }
0x96: {  	v15 =	vsel vm12, $0x1, v0;
	vm0 =	veq.s32 v18, $0xF;
	v12 =	vsel vm14, v13, v12  }
0x97: {  	v11 =	vsel vm11, $0xFF800000, v11;
	v13 =	vsel vm13, $0x2, v15;
	vm10 =	vgt.f32 v14, v12  }
0x98: {  	v13 =	vsel vm14, $0x3, v13;
	v12 =	vsel vm10, v14, v12  }
0x99: {  	v7 =	vsel vm9, $0xFF800000, v7;
	v13 =	vsel vm10, $0x4, v13;
	vm10 =	vgt.f32 v11, v12  }
0x9a: {  	v11 =	vsel vm10, v11, v12;
	v12 =	vsel vm10, $0x5, v13  }
0x9b: {  	v6 =	vsel vm8, $0xFF800000, v6;
	vm9 =	vgt.f32 v7, v11  }
0x9c: {  	v7 =	vsel vm9, v7, v11;
	v11 =	vsel vm9, $0x6, v12  }
0x9d: {  	v4 =	vsel vm7, $0xFF800000, v4;
	vm8 =	vgt.f32 v6, v7  }
0x9e: {  	v6 =	vsel vm8, v6, v7;
	v7 =	vsel vm8, $0x7, v11  }
0x9f: {  	v3 =	vsel vm6, $0xFF800000, v3;
	vm7 =	vgt.f32 v4, v6  }
0xa0: {  	v4 =	vsel vm7, v4, v6;
	v6 =	vsel vm7, $0x8, v7  }
0xa1: {  	v1 =	vsel vm5, $0xFF800000, v1;
	vm6 =	vgt.f32 v3, v4  }
0xa2: {  	v3 =	vsel vm6, v3, v4  }
0xa3: {  	v2 =	vsel vm4, $0xFF800000, v2;
	vm5 =	vgt.f32 v1, v3  }
0xa4: {  	v1 =	vsel vm5, v1, v3  }
0xa5: {  	v3 =	vsel vm3, $0xFF800000, v5;
	vm4 =	vgt.f32 v2, v1  }
0xa6: {  	v1 =	vsel vm4, v2, v1  }
0xa7: {  	v2 =	vsel vm2, $0xFF800000, v8;
	vm3 =	vgt.f32 v3, v1  }
0xa8: {  	v4 =	vsel vm6, $0x9, v6;
	v1 =	vsel vm3, v3, v1  }
0xa9: {  	v3 =	vsel vm5, $0xA, v4;
	v4 =	vsel vm1, $0xFF800000, v9;
	vm2 =	vgt.f32 v2, v1  }
0xaa: {  	v3 =	vsel vm4, $0xB, v3;
	v1 =	vsel vm2, v2, v1  }
0xab: {  	v2 =	vsel vm3, $0xC, v3;
	v3 =	vsel vm0, $0xFF800000, v10;
	vm1 =	vgt.f32 v4, v1  }
0xac: {  	v2 =	vsel vm2, $0xD, v2;
	v1 =	vsel vm1, v4, v1  }
0xad: {  	v2 =	vsel vm1, $0xE, v2;
	vm0 =	vgt.f32 v3, v1  }
0xae: {  	v1 =	vsel vm0, v3, v1;
	v2 =	vsel vm0, $0xF, v2  }
0xaf: {  	v1 =	vsub.f32 v1, v17;
	[tilespmem:s17+$0x2480] =	vst v2;
	_ =	sdelay $0x1  }
0xb0: {  	v1 =	vmul.f32 $1.442695020e+00, v1;
	_ =	sdelay $0x1  }
0xb1: {  	(erf) = vpow2.f32 v1;
	_ =	sdelay $0x8  }
0xb2: {  	v1 =	vpop (erf)  }
0xb3: {  	v2 =	vadd.f32 $1.000000000e+00, v1;
	_ =	sdelay $0x1  }
0xb4: {  	(erf) = vrcp.f32 v2;
	_ =	sdelay $0x5  }
.Ltmp0:
0xb5: {  	(pc) =	sbr.rel @p0 .LBB2_2-.Ltmp0, $3  }
0xb6: {  	_ =	sdelay $0x1  }
0xb7: {  	v2 =	vpop (erf)  }
0xb8: {  	s15 =	sadd.s32 $0x10, s15;
	s19 =	sshll.u32 s14, $0x7;
	s20 =	smov.u32 s16;
	v1 =	vmul.f32 v2, v1;
	[tilespmem:s17+$0x2000] =	vst v2  }
0xb9: {  	s15 =	sand.u32 $0x3FFFFC00, s19  }
0xba: {  	s15 =	sor.u32 s13, s15;
	[tilespmem:s17+$0x2080] =	vst v1  }
0xbb: {  	v1 =	vld [tilespmem:s15+$0x0]  }
0xbc: {  	v2 =	vld [tilespmem:s15+$0x80];
	_ =	sdelay $0x1  }
0xbd: {  	v3 =	vld [tilespmem:s15+$0x100];
	_ =	sdelay $0x1  }
0xbe: {  	v4 =	vld [tilespmem:s15+$0x180]  }
0xbf: {  	vm0 =	vgt.f32 v2, v1  }
0xc0: {  	v5 =	vld [tilespmem:s15+$0x200];
	v6 =	vsel vm0, v2, v1  }
0xc1: {  	vm1 =	vgt.f32 v3, v6  }
0xc2: {  	v7 =	vld [tilespmem:s15+$0x280];
	v6 =	vsel vm1, v3, v6  }
0xc3: {  	vm2 =	vgt.f32 v4, v6  }
0xc4: {  	v8 =	vld [tilespmem:s15+$0x300];
	v6 =	vsel vm2, v4, v6  }
0xc5: {  	vm3 =	vgt.f32 v5, v6  }
0xc6: {  	v9 =	vld [tilespmem:s15+$0x380];
	v6 =	vsel vm3, v5, v6  }
0xc7: {  	vm4 =	vgt.f32 v7, v6  }
0xc8: {  	v10 =	vld [tilespmem:s15+$0x1000];
	v6 =	vsel vm4, v7, v6  }
0xc9: {  	vm5 =	vgt.f32 v8, v6  }
0xca: {  	v11 =	vld [tilespmem:s15+$0x1080];
	v6 =	vsel vm5, v8, v6  }
0xcb: {  	vm6 =	vgt.f32 v9, v6  }
0xcc: {  	v12 =	vld [tilespmem:s15+$0x1100];
	v6 =	vsel vm6, v9, v6  }
0xcd: {  	vm7 =	vgt.f32 v10, v6  }
0xce: {  	v13 =	vld [tilespmem:s15+$0x1180];
	v14 =	vsel vm0, $0x1, v0;
	v6 =	vsel vm7, v10, v6  }
0xcf: {  	v14 =	vsel vm1, $0x2, v14;
	vm12 =	vgt.f32 v11, v6  }
0xd0: {  	v15 =	vld [tilespmem:s15+$0x1200];
	v14 =	vsel vm2, $0x3, v14;
	v6 =	vsel vm12, v11, v6  }
0xd1: {  	v14 =	vsel vm3, $0x4, v14;
	vm13 =	vgt.f32 v12, v6  }
0xd2: {  	v16 =	vld [tilespmem:s15+$0x1280];
	v14 =	vsel vm4, $0x5, v14;
	v6 =	vsel vm13, v12, v6  }
0xd3: {  	v14 =	vsel vm5, $0x6, v14;
	vm14 =	vgt.f32 v13, v6  }
0xd4: {  	v17 =	vld [tilespmem:s15+$0x1300];
	v14 =	vsel vm6, $0x7, v14;
	v6 =	vsel vm14, v13, v6  }
0xd5: {  	v14 =	vsel vm7, $0x8, v14;
	vm15 =	vgt.f32 v15, v6  }
0xd6: {  	v18 =	vld [tilespmem:s15+$0x1380];
	v14 =	vsel vm12, $0x9, v14;
	v6 =	vsel vm15, v15, v6  }
0xd7: {  	v14 =	vsel vm13, $0xA, v14;
	vm5 =	vgt.f32 v16, v6  }
0xd8: {  	v14 =	vsel vm14, $0xB, v14;
	v6 =	vsel vm5, v16, v6  }
0xd9: {  	v14 =	vsel vm15, $0xC, v14;
	vm6 =	vgt.f32 v17, v6  }
0xda: {  	v14 =	vsel vm5, $0xD, v14;
	v6 =	vsel vm6, v17, v6  }
0xdb: {  	v14 =	vsel vm6, $0xE, v14;
	vm0 =	vgt.f32 v18, v6  }
0xdc: {  	v14 =	vsel vm0, $0xF, v14  }
0xdd: {  	vm7 =	veq.s32 v14, $0x0  }
0xde: {  	v1 =	vsel vm7, $0xFF800000, v1  }
0xdf: {  	vm8 =	veq.s32 v14, $0x1;
	vm9 =	vgt.f32 v1, $-Inf  }
0xe0: {  	v2 =	vsel vm8, $0xFF800000, v2;
	v1 =	vnsel vm9, $0xFF800000, v1  }
0xe1: {  	vm10 =	veq.s32 v14, $0x2;
	vm1 =	vgt.f32 v2, v1  }
0xe2: {  	v3 =	vsel vm10, $0xFF800000, v3;
	v1 =	vsel vm1, v2, v1  }
0xe3: {  	vm11 =	veq.s32 v14, $0x3;
	vm2 =	vgt.f32 v3, v1  }
0xe4: {  	v2 =	vsel vm11, $0xFF800000, v4;
	v1 =	vsel vm2, v3, v1  }
0xe5: {  	vm12 =	veq.s32 v14, $0x4;
	vm3 =	vgt.f32 v2, v1  }
0xe6: {  	v3 =	vsel vm12, $0xFF800000, v5;
	v1 =	vsel vm3, v2, v1  }
0xe7: {  	vm13 =	veq.s32 v14, $0x5;
	vm4 =	vgt.f32 v3, v1  }
0xe8: {  	v2 =	vsel vm13, $0xFF800000, v7;
	v1 =	vsel vm4, v3, v1  }
0xe9: {  	vm14 =	veq.s32 v14, $0x6;
	vm5 =	vgt.f32 v2, v1  }
0xea: {  	v3 =	vsel vm14, $0xFF800000, v8;
	v1 =	vsel vm5, v2, v1  }
0xeb: {  	vm15 =	veq.s32 v14, $0x7;
	vm6 =	vgt.f32 v3, v1  }
0xec: {  	v2 =	vsel vm15, $0xFF800000, v9;
	v1 =	vsel vm6, v3, v1  }
0xed: {  	vm8 =	veq.s32 v14, $0x8;
	vm7 =	vgt.f32 v2, v1  }
0xee: {  	v3 =	vsel vm8, $0xFF800000, v10;
	v1 =	vsel vm7, v2, v1  }
0xef: {  	vm9 =	veq.s32 v14, $0x9;
	vm8 =	vgt.f32 v3, v1  }
0xf0: {  	v2 =	vsel vm9, $0xFF800000, v11;
	v1 =	vsel vm8, v3, v1  }
0xf1: {  	vm10 =	veq.s32 v14, $0xA;
	vm9 =	vgt.f32 v2, v1  }
0xf2: {  	v3 =	vsel vm10, $0xFF800000, v12;
	v1 =	vsel vm9, v2, v1  }
0xf3: {  	vm11 =	veq.s32 v14, $0xB;
	vm10 =	vgt.f32 v3, v1  }
0xf4: {  	v2 =	vsel vm11, $0xFF800000, v13;
	v1 =	vsel vm10, v3, v1  }
0xf5: {  	vm12 =	veq.s32 v14, $0xC;
	vm11 =	vgt.f32 v2, v1  }
0xf6: {  	v3 =	vsel vm12, $0xFF800000, v15;
	v1 =	vsel vm11, v2, v1  }
0xf7: {  	vm12 =	veq.s32 v14, $0xD;
	vm13 =	vgt.f32 v3, v1  }
0xf8: {  	v2 =	vsel vm12, $0xFF800000, v16;
	v1 =	vsel vm13, v3, v1  }
0xf9: {  	vm12 =	veq.s32 v14, $0xE;
	vm14 =	vgt.f32 v2, v1  }
0xfa: {  	v3 =	vsel vm12, $0xFF800000, v17;
	v1 =	vsel vm14, v2, v1  }
0xfb: {  	vm12 =	veq.s32 v14, $0xF;
	vm15 =	vgt.f32 v3, v1  }
0xfc: {  	v2 =	vsel vm12, $0xFF800000, v18;
	v1 =	vsel vm15, v3, v1  }
0xfd: {  	vm12 =	vgt.f32 v2, v1  }
0xfe: {  	v3 =	vsel vm0, v18, v6;
	v1 =	vsel vm12, v2, v1  }
0xff: {  	v1 =	vsub.f32 v1, v3;
	_ =	sdelay $0x1  }
0x100: {  	v1 =	vmul.f32 $1.442695020e+00, v1;
	_ =	sdelay $0x1  }
0x101: {  	(erf) = vpow2.f32 v1;
	_ =	sdelay $0x6  }
0x102: {  	v1 =	vsel vm1, $0x1, v0  }
0x103: {  	v1 =	vsel vm2, $0x2, v1  }
0x104: {  	v1 =	vsel vm3, $0x3, v1;
	v2 =	vpop (erf)  }
0x105: {  	v1 =	vsel vm4, $0x4, v1;
	v3 =	vadd.f32 $1.000000000e+00, v2  }
0x106: {  	v1 =	vsel vm5, $0x5, v1  }
0x107: {  	v1 =	vsel vm6, $0x6, v1;
	(erf) = vrcp.f32 v3  }
0x108: {  	v1 =	vsel vm7, $0x7, v1  }
0x109: {  	v1 =	vsel vm8, $0x8, v1  }
0x10a: {  	v1 =	vsel vm9, $0x9, v1  }
0x10b: {  	v1 =	vsel vm10, $0xA, v1  }
0x10c: {  	v1 =	vsel vm11, $0xB, v1  }
0x10d: {  	s14 =	sshll.u32 s14, $0x5;
	v1 =	vsel vm13, $0xC, v1  }
0x10e: {  	s14 =	sand.u32 $0xFFFFFF00, s14;
	v1 =	vsel vm14, $0xD, v1  }
0x10f: {  	s31 =	sor.u32 s13, s14;
	v1 =	vsel vm15, $0xE, v1  }
0x110: {  	[tilespmem:s31+$0x2400] =	vst v14;
	v1 =	vsel vm12, $0xF, v1;
	v3 =	vpop (erf)  }
0x111: {  	[tilespmem:s31+$0x2480] =	vst v1;
	v1 =	vmul.f32 v3, v2  }
0x112: {  	[tilespmem:s31+$0x2000] =	vst v3  }
0x113: {  	[tilespmem:s31+$0x2080] =	vst v1  }
0x114: {  	[hbm4b:s4+s2] =	stream.linear.scatter [tilespmem:s10], [sflag:$0x1], $0x400, $0x38;
	[tilespmem:$0x2800] =	vst v63  }
0x115: {  	s12 =	sadd.s32 $0x1, s12;
	_ =	swait.ge [sflag:s9], $0x400  }
0x116: {  	p0 =	sne.s32 s12, s6;
	[sflag:s9] =	ssyncset.done $0x0  }
.Ltmp1:
0x117: {  	[sflag:s9] =	ssyncadd.s32 $0xFFFFFC00;
	(pc) =	sbr.rel @p0 .LBB2_1-.Ltmp1, $4  }
0x118: {  	[hbm4b:s5+s2] =	stream.linear.scatter [tilespmem:s11], [sflag:$0x1], $0x400, $0x38;
	[tilespmem:$0x2800] =	vst v63  }
0x119: {  	_ =	swait.ge [sflag:s9], $0x400  }
0x11a: {  	[sflag:s9] =	ssyncset.done $0x0  }
0x11b: {  	[sflag:s9] =	ssyncadd.s32 $0xFFFFFC00  }
0x11c: {  	_ =	sfence.sel $0x180000  }
0x11d: {  	[bflag:$0x0] =	sbarrier.arrive $0xFFFF  }
0x11e: {  	p0 =	sne.s32 s1, $0x0;
	_ =	strace $0x90000047  }
0x11f: {  	s0 =	sadd.s32 @!p0 $0x100000, s0;
	[bflag:$0x2] =	sbarrier.arrive $0xFFFF  }
0x120: {  	[sflag:s0] =	ssyncadd.tile.s32 @!p0 $0x1;
	_ =	shalt  }
.Lfunc_end2:
_tile_overlayer_lowered:
.L_overlay_start_2:
0x121: {  	(tag) =	ssettag $0x2  }
0x122: {  	s0 =	rddreg [dreg:$0x0];
	s2 =	stileid.u32  }
0x123: {  	s1 =	rddreg [dreg:$0x1];
	p0 =	sne.s32 s2, $0x0  }
0x124: {  	s3 =	rddreg [dreg:$0x2];
	[bflag:$0x3] =	sbarrier.arrive $0xFFFF;
	s2 =	simm.s32 @!p0 $0x1C01  }
0x125: {  	[timem:s3], [sflag:s2] =	dma.local @!p0 [hbm:s0], s1  }
0x126: {  	s0 =	simm.s32 @!p0 $0x1  }
0x127: {  	_ =	swait.ge @!p0 [sflag:s0], s1  }
0x128: {  	s1 =	ssub.s32 @!p0 $0x0, s1;
	[sflag:s0] =	ssyncset.done @!p0 $0x0  }
0x129: {  	[sflag:s0] =	ssyncadd.s32 @!p0 s1  }
0x12a: {  	[bflag:$0x3] =	sbarrier.arrive $0xFFFF  }
0x12b: {  	_ =	shalt  }

</sc_bundles>
